<compile_context>
chip_gen: v7x
topology: tpu7x:2x2x1
jax: 0.10.2.dev20260603
libtpu: 0.0.44.dev20260713+nightly
codegen_flags: <defaults>
</compile_context>

<pallas_src>
import functools

import jax
import jax.numpy as jnp
from jax import lax
from jax.experimental import pallas as pl
from jax.experimental.pallas import tpu as pltpu
from jax.experimental.pallas import tpu_sc as plsc

ACTION_N = 1_000_000

NUM_TILES = 32
SC_N = 65_536
SC_PER_TILE = SC_N // NUM_TILES
SC_UNROLL = 4
TC_N = ACTION_N - SC_N

LANES = 128
ROWS = 984
BLOCK = ROWS * LANES
GRID_TC = (TC_N + BLOCK - 1) // BLOCK

_ROTS_A = (13, 15, 26, 6)
_ROTS_B = (17, 29, 16, 24)


def _threefry_bernoulli(ctr, xv):
    ks0 = jnp.uint32(0)
    ks1 = jnp.uint32(1)
    ks2 = jnp.uint32(0x1BD11BDA) ^ ks0 ^ ks1
    ks = (ks0, ks1, ks2)

    x0 = jnp.zeros_like(ctr)
    x1 = ctr + ks1

    def rotl(v, r):
        return (v << jnp.uint32(r)) | (v >> jnp.uint32(32 - r))

    for g in range(5):
        rots = _ROTS_A if g % 2 == 0 else _ROTS_B
        for r in rots:
            x0 = x0 + x1
            x1 = rotl(x1, r)
            x1 = x1 ^ x0
        x0 = x0 + ks[(g + 1) % 3]
        x1 = x1 + ks[(g + 2) % 3] + jnp.uint32(g + 1)

    bits = x0 ^ x1
    fbits = (bits >> jnp.uint32(9)) | jnp.uint32(0x3F800000)
    rand = lax.bitcast_convert_type(fbits, jnp.float32) - jnp.float32(1.0)
    return jnp.where(rand < xv, jnp.float32(1.0), jnp.float32(0.0))



def _tc_block(x_ref, out_ref):
    pid = pl.program_id(0)
    base = (pid * BLOCK).astype(jnp.uint32)
    row = lax.broadcasted_iota(jnp.uint32, (ROWS, LANES), 0)
    lane = lax.broadcasted_iota(jnp.uint32, (ROWS, LANES), 1)
    ctr = base + row * jnp.uint32(LANES) + lane

    xv = x_ref[...].reshape(ROWS, LANES)
    out_ref[...] = _threefry_bernoulli(ctr, xv).reshape(BLOCK)


def _tc_head(x):
    return pl.pallas_call(
        _tc_block,
        out_shape=jax.ShapeDtypeStruct((TC_N,), jnp.float32),
        grid=(GRID_TC,),
        in_specs=[pl.BlockSpec((BLOCK,), lambda i: (i,))],
        out_specs=pl.BlockSpec((BLOCK,), lambda i: (i,)),
    )(x)



_sc_mesh = plsc.VectorSubcoreMesh(core_axis_name="c", subcore_axis_name="s")


@functools.partial(
    pl.kernel,
    mesh=_sc_mesh,
    out_type=jax.ShapeDtypeStruct((SC_N,), jnp.float32),
    scratch_types=[
        pltpu.VMEM((SC_PER_TILE,), jnp.float32),
        pltpu.VMEM((SC_PER_TILE,), jnp.float32),
    ],
)
def _sc_tail(x_hbm, out_hbm, x_v, out_v):
    wid = lax.axis_index("s") * 2 + lax.axis_index("c")
    base = wid * SC_PER_TILE
    pltpu.sync_copy(x_hbm.at[pl.ds(TC_N + base, SC_PER_TILE)], x_v)

    lane = lax.iota(jnp.uint32, 16)
    gbase = jnp.uint32(TC_N) + base.astype(jnp.uint32)

    def body(j, carry):
        off0 = j * (16 * SC_UNROLL)
        for u in range(SC_UNROLL):
            off = off0 + u * 16
            ctr = gbase + off.astype(jnp.uint32) + lane
            xv = x_v[pl.ds(off, 16)]
            out_v[pl.ds(off, 16)] = _threefry_bernoulli(ctr, xv)
        return carry

    lax.fori_loop(0, SC_PER_TILE // (16 * SC_UNROLL), body, 0)
    pltpu.sync_copy(out_v, out_hbm.at[pl.ds(base, SC_PER_TILE)])


def kernel(x):
    sc_out = _sc_tail(x)
    tc_out = _tc_head(x)
    return jnp.concatenate([tc_out, sc_out])

# --- scband reference (transcript-rebuilt; emitter-appended) ---
"""Pipeline reference for scband-action-layer-10505490006710 (READ-ONLY COPY).

The authoritative reference and input builder live on the scoring server;
editing this copy changes nothing except your own understanding.
"""

import jax, jax.numpy as jnp
import numpy as np

ACTION_SIZE = 1000000

def setup_inputs(seed: int = 0) -> dict:
    key = jax.random.key(seed)
    x = jax.random.uniform(key, (ACTION_SIZE,), dtype=jnp.float32)
    return {"x": x}

def reference(x):
    # Faithful translation: for each i, draw an independent uniform rand;
    # action[i] = 1 if rand < x[i] else 0. Vectorized as independent
    # per-element uniforms (same distribution as the sequential torch loop).
    rkey = jax.random.key(1)
    rand = jax.random.uniform(rkey, x.shape, dtype=jnp.float32)
    action = jnp.where(rand < x, jnp.ones_like(x), jnp.zeros_like(x))
    return action

if __name__ == "__main__":
    import jax
    _d = setup_inputs()
    print(jax.jit(kernel)(*tuple(_d.values())))

</pallas_src>

<mosaic_0001>
#map = affine_map<(d0, d1) -> (0)>
module attributes {stable_mosaic.version = 14 : i64} {
  func.func @_sc_tail(%arg0: i32, %arg1: i32, %arg2: memref<1000000xf32, #tpu.memory_space<hbm>>, %arg3: memref<65536xf32, #tpu.memory_space<hbm>>, %arg4: memref<2048xf32, #tpu.memory_space<vmem>>, %arg5: memref<2048xf32, #tpu.memory_space<vmem>>) attributes {dimension_semantics = [#tpu.dimension_semantics<core_parallel>, #tpu.dimension_semantics<subcore_parallel>], iteration_bounds = array<i64: 2, 16>, scalar_prefetch = 0 : i64, scratch_operands = 2 : i64, tpu.core_type = #tpu.core_type<sc_vector_subcore>, window_params = [{transform_indices = #map}, {transform_indices = #map}]} {
    %mul3A = arith.constant 2 : i32
    %mul3A_0 = arith.muli %arg1, %mul3A : i32
    %add3A = arith.addi %mul3A_0, %arg0 : i32
    %mul3A_1 = arith.constant 2048 : i32
    %mul3A_2 = arith.muli %add3A, %mul3A_1 : i32
    %add3A_3 = arith.constant 934464 : i32
    %add3A_4 = arith.addi %add3A_3, %mul3A_2 : i32
    "tpu.region"() ({
      %run_scoped3A = tpu.sem_alloc : memref<!tpu.dma_semaphore, #tpu.memory_space<semaphore_mem>>
      %dma_start3A = tpu.memref_slice %arg2[%add3A_4] : memref<1000000xf32, #tpu.memory_space<hbm>> -> memref<2048xf32, #tpu.memory_space<hbm>>
      %dma_start3A_12 = tpu.memref_slice %arg2[%add3A_4] : memref<1000000xf32, #tpu.memory_space<hbm>> -> memref<2048xf32, #tpu.memory_space<hbm>>
      tpu.enqueue_dma source(%dma_start3A_12 : memref<2048xf32, #tpu.memory_space<hbm>>) target(%arg4 : memref<2048xf32, #tpu.memory_space<vmem>>) target_semaphore(%run_scoped3A : memref<!tpu.dma_semaphore, #tpu.memory_space<semaphore_mem>>)
      %dma_wait3A = tpu.memref_slice %arg2[%add3A_4] : memref<1000000xf32, #tpu.memory_space<hbm>> -> memref<2048xf32, #tpu.memory_space<hbm>>
      %dma_wait3A_13 = tpu.memref_slice %arg2[%add3A_4] : memref<1000000xf32, #tpu.memory_space<hbm>> -> memref<2048xf32, #tpu.memory_space<hbm>>
      tpu.wait_dma2 semaphore(%run_scoped3A : memref<!tpu.dma_semaphore, #tpu.memory_space<semaphore_mem>>) src(%dma_wait3A_13 : memref<2048xf32, #tpu.memory_space<hbm>>) dst(%arg4 : memref<2048xf32, #tpu.memory_space<vmem>>)
      tpu.yield
    }) : () -> ()
    %iota3A = tpu.iota {dimensions = array<i32: 0>} : vector<16xi32>
    %add3A_5 = arith.constant 934464 : i32
    %add3A_6 = arith.addi %add3A_5, %mul3A_2 : i32
    %scan3A = arith.constant 0 : i32
    %scan3A_7 = arith.constant 0 : i32
    %scan3A_8 = arith.constant 32 : i32
    %scan3A_9 = arith.addi %scan3A_7, %scan3A_8 : i32
    %scan3A_10 = arith.constant 1 : i32
    scf.for %scan3A_12 = %scan3A_7 to %scan3A_9 step %scan3A_10  : i32 {
      %mul3A_13 = arith.constant 64 : i32
      %mul3A_14 = arith.muli %scan3A_12, %mul3A_13 : i32
      %add3A_15 = arith.constant 0 : i32
      %add3A_16 = arith.addi %mul3A_14, %add3A_15 : i32
      %add3A_17 = arith.addi %add3A_6, %add3A_16 : i32
      %add3A_18 = vector.broadcast %add3A_17 : i32 to vector<16xi32>
      %add3A_19 = arith.addi %add3A_18, %iota3A : vector<16xi32>
      %get3A = arith.index_cast %add3A_16 : i32 to index
      %get3A_20 = tpu.vector_load %arg4[%get3A] {strides = array<i32>} : memref<2048xf32, #tpu.memory_space<vmem>>, vector<16xf32>,
      %get3A_21 = vector.shape_cast %get3A_20 : vector<16xf32> to vector<16xf32>
      %xor3A = arith.constant 466688986 : i32
      %xor3A_22 = arith.constant 0 : i32
      %xor3A_23 = arith.xori %xor3A, %xor3A_22 : i32
      %xor3A_24 = arith.constant 1 : i32
      %xor3A_25 = arith.xori %xor3A_23, %xor3A_24 : i32
      %broadcast_in_dim3A = arith.constant 0 : i32
      %broadcast_in_dim3A_26 = vector.broadcast %broadcast_in_dim3A : i32 to vector<16xi32>
      %add3A_27 = arith.constant 1 : i32
      %add3A_28 = vector.broadcast %add3A_27 : i32 to vector<16xi32>
      %add3A_29 = arith.addi %add3A_19, %add3A_28 : vector<16xi32>
      %add3A_30 = arith.addi %broadcast_in_dim3A_26, %add3A_29 : vector<16xi32>
      %shift_left3A = arith.constant 13 : i32
      %shift_left3A_31 = vector.broadcast %shift_left3A : i32 to vector<16xi32>
      %shift_left3A_32 = arith.shli %add3A_29, %shift_left3A_31 : vector<16xi32>
      %shift_right_logical3A = arith.constant 19 : i32
      %shift_right_logical3A_33 = vector.broadcast %shift_right_logical3A : i32 to vector<16xi32>
      %shift_right_logical3A_34 = arith.shrui %add3A_29, %shift_right_logical3A_33 : vector<16xi32>
      %or3A = arith.ori %shift_left3A_32, %shift_right_logical3A_34 : vector<16xi32>
      %xor3A_35 = arith.xori %or3A, %add3A_30 : vector<16xi32>
      %add3A_36 = arith.addi %add3A_30, %xor3A_35 : vector<16xi32>
      %shift_left3A_37 = arith.constant 15 : i32
      %shift_left3A_38 = vector.broadcast %shift_left3A_37 : i32 to vector<16xi32>
      %shift_left3A_39 = arith.shli %xor3A_35, %shift_left3A_38 : vector<16xi32>
      %shift_right_logical3A_40 = arith.constant 17 : i32
      %shift_right_logical3A_41 = vector.broadcast %shift_right_logical3A_40 : i32 to vector<16xi32>
      %shift_right_logical3A_42 = arith.shrui %xor3A_35, %shift_right_logical3A_41 : vector<16xi32>
      %or3A_43 = arith.ori %shift_left3A_39, %shift_right_logical3A_42 : vector<16xi32>
      %xor3A_44 = arith.xori %or3A_43, %add3A_36 : vector<16xi32>
      %add3A_45 = arith.addi %add3A_36, %xor3A_44 : vector<16xi32>
      %shift_left3A_46 = arith.constant 26 : i32
      %shift_left3A_47 = vector.broadcast %shift_left3A_46 : i32 to vector<16xi32>
      %shift_left3A_48 = arith.shli %xor3A_44, %shift_left3A_47 : vector<16xi32>
      %shift_right_logical3A_49 = arith.constant 6 : i32
      %shift_right_logical3A_50 = vector.broadcast %shift_right_logical3A_49 : i32 to vector<16xi32>
      %shift_right_logical3A_51 = arith.shrui %xor3A_44, %shift_right_logical3A_50 : vector<16xi32>
      %or3A_52 = arith.ori %shift_left3A_48, %shift_right_logical3A_51 : vector<16xi32>
      %xor3A_53 = arith.xori %or3A_52, %add3A_45 : vector<16xi32>
      %add3A_54 = arith.addi %add3A_45, %xor3A_53 : vector<16xi32>
      %shift_left3A_55 = arith.constant 6 : i32
      %shift_left3A_56 = vector.broadcast %shift_left3A_55 : i32 to vector<16xi32>
      %shift_left3A_57 = arith.shli %xor3A_53, %shift_left3A_56 : vector<16xi32>
      %shift_right_logical3A_58 = arith.constant 26 : i32
      %shift_right_logical3A_59 = vector.broadcast %shift_right_logical3A_58 : i32 to vector<16xi32>
      %shift_right_logical3A_60 = arith.shrui %xor3A_53, %shift_right_logical3A_59 : vector<16xi32>
      %or3A_61 = arith.ori %shift_left3A_57, %shift_right_logical3A_60 : vector<16xi32>
      %xor3A_62 = arith.xori %or3A_61, %add3A_54 : vector<16xi32>
      %add3A_63 = arith.constant 1 : i32
      %add3A_64 = vector.broadcast %add3A_63 : i32 to vector<16xi32>
      %add3A_65 = arith.addi %add3A_54, %add3A_64 : vector<16xi32>
      %add3A_66 = vector.broadcast %xor3A_25 : i32 to vector<16xi32>
      %add3A_67 = arith.addi %xor3A_62, %add3A_66 : vector<16xi32>
      %add3A_68 = arith.constant 1 : i32
      %add3A_69 = vector.broadcast %add3A_68 : i32 to vector<16xi32>
      %add3A_70 = arith.addi %add3A_67, %add3A_69 : vector<16xi32>
      %add3A_71 = arith.addi %add3A_65, %add3A_70 : vector<16xi32>
      %shift_left3A_72 = arith.constant 17 : i32
      %shift_left3A_73 = vector.broadcast %shift_left3A_72 : i32 to vector<16xi32>
      %shift_left3A_74 = arith.shli %add3A_70, %shift_left3A_73 : vector<16xi32>
      %shift_right_logical3A_75 = arith.constant 15 : i32
      %shift_right_logical3A_76 = vector.broadcast %shift_right_logical3A_75 : i32 to vector<16xi32>
      %shift_right_logical3A_77 = arith.shrui %add3A_70, %shift_right_logical3A_76 : vector<16xi32>
      %or3A_78 = arith.ori %shift_left3A_74, %shift_right_logical3A_77 : vector<16xi32>
      %xor3A_79 = arith.xori %or3A_78, %add3A_71 : vector<16xi32>
      %add3A_80 = arith.addi %add3A_71, %xor3A_79 : vector<16xi32>
      %shift_left3A_81 = arith.constant 29 : i32
      %shift_left3A_82 = vector.broadcast %shift_left3A_81 : i32 to vector<16xi32>
      %shift_left3A_83 = arith.shli %xor3A_79, %shift_left3A_82 : vector<16xi32>
      %shift_right_logical3A_84 = arith.constant 3 : i32
      %shift_right_logical3A_85 = vector.broadcast %shift_right_logical3A_84 : i32 to vector<16xi32>
      %shift_right_logical3A_86 = arith.shrui %xor3A_79, %shift_right_logical3A_85 : vector<16xi32>
      %or3A_87 = arith.ori %shift_left3A_83, %shift_right_logical3A_86 : vector<16xi32>
      %xor3A_88 = arith.xori %or3A_87, %add3A_80 : vector<16xi32>
      %add3A_89 = arith.addi %add3A_80, %xor3A_88 : vector<16xi32>
      %shift_left3A_90 = arith.constant 16 : i32
      %shift_left3A_91 = vector.broadcast %shift_left3A_90 : i32 to vector<16xi32>
      %shift_left3A_92 = arith.shli %xor3A_88, %shift_left3A_91 : vector<16xi32>
      %shift_right_logical3A_93 = arith.constant 16 : i32
      %shift_right_logical3A_94 = vector.broadcast %shift_right_logical3A_93 : i32 to vector<16xi32>
      %shift_right_logical3A_95 = arith.shrui %xor3A_88, %shift_right_logical3A_94 : vector<16xi32>
      %or3A_96 = arith.ori %shift_left3A_92, %shift_right_logical3A_95 : vector<16xi32>
      %xor3A_97 = arith.xori %or3A_96, %add3A_89 : vector<16xi32>
      %add3A_98 = arith.addi %add3A_89, %xor3A_97 : vector<16xi32>
      %shift_left3A_99 = arith.constant 24 : i32
      %shift_left3A_100 = vector.broadcast %shift_left3A_99 : i32 to vector<16xi32>
      %shift_left3A_101 = arith.shli %xor3A_97, %shift_left3A_100 : vector<16xi32>
      %shift_right_logical3A_102 = arith.constant 8 : i32
      %shift_right_logical3A_103 = vector.broadcast %shift_right_logical3A_102 : i32 to vector<16xi32>
      %shift_right_logical3A_104 = arith.shrui %xor3A_97, %shift_right_logical3A_103 : vector<16xi32>
      %or3A_105 = arith.ori %shift_left3A_101, %shift_right_logical3A_104 : vector<16xi32>
      %xor3A_106 = arith.xori %or3A_105, %add3A_98 : vector<16xi32>
      %add3A_107 = vector.broadcast %xor3A_25 : i32 to vector<16xi32>
      %add3A_108 = arith.addi %add3A_98, %add3A_107 : vector<16xi32>
      %add3A_109 = arith.constant 0 : i32
      %add3A_110 = vector.broadcast %add3A_109 : i32 to vector<16xi32>
      %add3A_111 = arith.addi %xor3A_106, %add3A_110 : vector<16xi32>
      %add3A_112 = arith.constant 2 : i32
      %add3A_113 = vector.broadcast %add3A_112 : i32 to vector<16xi32>
      %add3A_114 = arith.addi %add3A_111, %add3A_113 : vector<16xi32>
      %add3A_115 = arith.addi %add3A_108, %add3A_114 : vector<16xi32>
      %shift_left3A_116 = arith.constant 13 : i32
      %shift_left3A_117 = vector.broadcast %shift_left3A_116 : i32 to vector<16xi32>
      %shift_left3A_118 = arith.shli %add3A_114, %shift_left3A_117 : vector<16xi32>
      %shift_right_logical3A_119 = arith.constant 19 : i32
      %shift_right_logical3A_120 = vector.broadcast %shift_right_logical3A_119 : i32 to vector<16xi32>
      %shift_right_logical3A_121 = arith.shrui %add3A_114, %shift_right_logical3A_120 : vector<16xi32>
      %or3A_122 = arith.ori %shift_left3A_118, %shift_right_logical3A_121 : vector<16xi32>
      %xor3A_123 = arith.xori %or3A_122, %add3A_115 : vector<16xi32>
      %add3A_124 = arith.addi %add3A_115, %xor3A_123 : vector<16xi32>
      %shift_left3A_125 = arith.constant 15 : i32
      %shift_left3A_126 = vector.broadcast %shift_left3A_125 : i32 to vector<16xi32>
      %shift_left3A_127 = arith.shli %xor3A_123, %shift_left3A_126 : vector<16xi32>
      %shift_right_logical3A_128 = arith.constant 17 : i32
      %shift_right_logical3A_129 = vector.broadcast %shift_right_logical3A_128 : i32 to vector<16xi32>
      %shift_right_logical3A_130 = arith.shrui %xor3A_123, %shift_right_logical3A_129 : vector<16xi32>
      %or3A_131 = arith.ori %shift_left3A_127, %shift_right_logical3A_130 : vector<16xi32>
      %xor3A_132 = arith.xori %or3A_131, %add3A_124 : vector<16xi32>
      %add3A_133 = arith.addi %add3A_124, %xor3A_132 : vector<16xi32>
      %shift_left3A_134 = arith.constant 26 : i32
      %shift_left3A_135 = vector.broadcast %shift_left3A_134 : i32 to vector<16xi32>
      %shift_left3A_136 = arith.shli %xor3A_132, %shift_left3A_135 : vector<16xi32>
      %shift_right_logical3A_137 = arith.constant 6 : i32
      %shift_right_logical3A_138 = vector.broadcast %shift_right_logical3A_137 : i32 to vector<16xi32>
      %shift_right_logical3A_139 = arith.shrui %xor3A_132, %shift_right_logical3A_138 : vector<16xi32>
      %or3A_140 = arith.ori %shift_left3A_136, %shift_right_logical3A_139 : vector<16xi32>
      %xor3A_141 = arith.xori %or3A_140, %add3A_133 : vector<16xi32>
      %add3A_142 = arith.addi %add3A_133, %xor3A_141 : vector<16xi32>
      %shift_left3A_143 = arith.constant 6 : i32
      %shift_left3A_144 = vector.broadcast %shift_left3A_143 : i32 to vector<16xi32>
      %shift_left3A_145 = arith.shli %xor3A_141, %shift_left3A_144 : vector<16xi32>
      %shift_right_logical3A_146 = arith.constant 26 : i32
      %shift_right_logical3A_147 = vector.broadcast %shift_right_logical3A_146 : i32 to vector<16xi32>
      %shift_right_logical3A_148 = arith.shrui %xor3A_141, %shift_right_logical3A_147 : vector<16xi32>
      %or3A_149 = arith.ori %shift_left3A_145, %shift_right_logical3A_148 : vector<16xi32>
      %xor3A_150 = arith.xori %or3A_149, %add3A_142 : vector<16xi32>
      %add3A_151 = arith.constant 0 : i32
      %add3A_152 = vector.broadcast %add3A_151 : i32 to vector<16xi32>
      %add3A_153 = arith.addi %add3A_142, %add3A_152 : vector<16xi32>
      %add3A_154 = arith.constant 1 : i32
      %add3A_155 = vector.broadcast %add3A_154 : i32 to vector<16xi32>
      %add3A_156 = arith.addi %xor3A_150, %add3A_155 : vector<16xi32>
      %add3A_157 = arith.constant 3 : i32
      %add3A_158 = vector.broadcast %add3A_157 : i32 to vector<16xi32>
      %add3A_159 = arith.addi %add3A_156, %add3A_158 : vector<16xi32>
      %add3A_160 = arith.addi %add3A_153, %add3A_159 : vector<16xi32>
      %shift_left3A_161 = arith.constant 17 : i32
      %shift_left3A_162 = vector.broadcast %shift_left3A_161 : i32 to vector<16xi32>
      %shift_left3A_163 = arith.shli %add3A_159, %shift_left3A_162 : vector<16xi32>
      %shift_right_logical3A_164 = arith.constant 15 : i32
      %shift_right_logical3A_165 = vector.broadcast %shift_right_logical3A_164 : i32 to vector<16xi32>
      %shift_right_logical3A_166 = arith.shrui %add3A_159, %shift_right_logical3A_165 : vector<16xi32>
      %or3A_167 = arith.ori %shift_left3A_163, %shift_right_logical3A_166 : vector<16xi32>
      %xor3A_168 = arith.xori %or3A_167, %add3A_160 : vector<16xi32>
      %add3A_169 = arith.addi %add3A_160, %xor3A_168 : vector<16xi32>
      %shift_left3A_170 = arith.constant 29 : i32
      %shift_left3A_171 = vector.broadcast %shift_left3A_170 : i32 to vector<16xi32>
      %shift_left3A_172 = arith.shli %xor3A_168, %shift_left3A_171 : vector<16xi32>
      %shift_right_logical3A_173 = arith.constant 3 : i32
      %shift_right_logical3A_174 = vector.broadcast %shift_right_logical3A_173 : i32 to vector<16xi32>
      %shift_right_logical3A_175 = arith.shrui %xor3A_168, %shift_right_logical3A_174 : vector<16xi32>
      %or3A_176 = arith.ori %shift_left3A_172, %shift_right_logical3A_175 : vector<16xi32>
      %xor3A_177 = arith.xori %or3A_176, %add3A_169 : vector<16xi32>
      %add3A_178 = arith.addi %add3A_169, %xor3A_177 : vector<16xi32>
      %shift_left3A_179 = arith.constant 16 : i32
      %shift_left3A_180 = vector.broadcast %shift_left3A_179 : i32 to vector<16xi32>
      %shift_left3A_181 = arith.shli %xor3A_177, %shift_left3A_180 : vector<16xi32>
      %shift_right_logical3A_182 = arith.constant 16 : i32
      %shift_right_logical3A_183 = vector.broadcast %shift_right_logical3A_182 : i32 to vector<16xi32>
      %shift_right_logical3A_184 = arith.shrui %xor3A_177, %shift_right_logical3A_183 : vector<16xi32>
      %or3A_185 = arith.ori %shift_left3A_181, %shift_right_logical3A_184 : vector<16xi32>
      %xor3A_186 = arith.xori %or3A_185, %add3A_178 : vector<16xi32>
      %add3A_187 = arith.addi %add3A_178, %xor3A_186 : vector<16xi32>
      %shift_left3A_188 = arith.constant 24 : i32
      %shift_left3A_189 = vector.broadcast %shift_left3A_188 : i32 to vector<16xi32>
      %shift_left3A_190 = arith.shli %xor3A_186, %shift_left3A_189 : vector<16xi32>
      %shift_right_logical3A_191 = arith.constant 8 : i32
      %shift_right_logical3A_192 = vector.broadcast %shift_right_logical3A_191 : i32 to vector<16xi32>
      %shift_right_logical3A_193 = arith.shrui %xor3A_186, %shift_right_logical3A_192 : vector<16xi32>
      %or3A_194 = arith.ori %shift_left3A_190, %shift_right_logical3A_193 : vector<16xi32>
      %xor3A_195 = arith.xori %or3A_194, %add3A_187 : vector<16xi32>
      %add3A_196 = arith.constant 1 : i32
      %add3A_197 = vector.broadcast %add3A_196 : i32 to vector<16xi32>
      %add3A_198 = arith.addi %add3A_187, %add3A_197 : vector<16xi32>
      %add3A_199 = vector.broadcast %xor3A_25 : i32 to vector<16xi32>
      %add3A_200 = arith.addi %xor3A_195, %add3A_199 : vector<16xi32>
      %add3A_201 = arith.constant 4 : i32
      %add3A_202 = vector.broadcast %add3A_201 : i32 to vector<16xi32>
      %add3A_203 = arith.addi %add3A_200, %add3A_202 : vector<16xi32>
      %add3A_204 = arith.addi %add3A_198, %add3A_203 : vector<16xi32>
      %shift_left3A_205 = arith.constant 13 : i32
      %shift_left3A_206 = vector.broadcast %shift_left3A_205 : i32 to vector<16xi32>
      %shift_left3A_207 = arith.shli %add3A_203, %shift_left3A_206 : vector<16xi32>
      %shift_right_logical3A_208 = arith.constant 19 : i32
      %shift_right_logical3A_209 = vector.broadcast %shift_right_logical3A_208 : i32 to vector<16xi32>
      %shift_right_logical3A_210 = arith.shrui %add3A_203, %shift_right_logical3A_209 : vector<16xi32>
      %or3A_211 = arith.ori %shift_left3A_207, %shift_right_logical3A_210 : vector<16xi32>
      %xor3A_212 = arith.xori %or3A_211, %add3A_204 : vector<16xi32>
      %add3A_213 = arith.addi %add3A_204, %xor3A_212 : vector<16xi32>
      %shift_left3A_214 = arith.constant 15 : i32
      %shift_left3A_215 = vector.broadcast %shift_left3A_214 : i32 to vector<16xi32>
      %shift_left3A_216 = arith.shli %xor3A_212, %shift_left3A_215 : vector<16xi32>
      %shift_right_logical3A_217 = arith.constant 17 : i32
      %shift_right_logical3A_218 = vector.broadcast %shift_right_logical3A_217 : i32 to vector<16xi32>
      %shift_right_logical3A_219 = arith.shrui %xor3A_212, %shift_right_logical3A_218 : vector<16xi32>
      %or3A_220 = arith.ori %shift_left3A_216, %shift_right_logical3A_219 : vector<16xi32>
      %xor3A_221 = arith.xori %or3A_220, %add3A_213 : vector<16xi32>
      %add3A_222 = arith.addi %add3A_213, %xor3A_221 : vector<16xi32>
      %shift_left3A_223 = arith.constant 26 : i32
      %shift_left3A_224 = vector.broadcast %shift_left3A_223 : i32 to vector<16xi32>
      %shift_left3A_225 = arith.shli %xor3A_221, %shift_left3A_224 : vector<16xi32>
      %shift_right_logical3A_226 = arith.constant 6 : i32
      %shift_right_logical3A_227 = vector.broadcast %shift_right_logical3A_226 : i32 to vector<16xi32>
      %shift_right_logical3A_228 = arith.shrui %xor3A_221, %shift_right_logical3A_227 : vector<16xi32>
      %or3A_229 = arith.ori %shift_left3A_225, %shift_right_logical3A_228 : vector<16xi32>
      %xor3A_230 = arith.xori %or3A_229, %add3A_222 : vector<16xi32>
      %add3A_231 = arith.addi %add3A_222, %xor3A_230 : vector<16xi32>
      %shift_left3A_232 = arith.constant 6 : i32
      %shift_left3A_233 = vector.broadcast %shift_left3A_232 : i32 to vector<16xi32>
      %shift_left3A_234 = arith.shli %xor3A_230, %shift_left3A_233 : vector<16xi32>
      %shift_right_logical3A_235 = arith.constant 26 : i32
      %shift_right_logical3A_236 = vector.broadcast %shift_right_logical3A_235 : i32 to vector<16xi32>
      %shift_right_logical3A_237 = arith.shrui %xor3A_230, %shift_right_logical3A_236 : vector<16xi32>
      %or3A_238 = arith.ori %shift_left3A_234, %shift_right_logical3A_237 : vector<16xi32>
      %xor3A_239 = arith.xori %or3A_238, %add3A_231 : vector<16xi32>
      %add3A_240 = vector.broadcast %xor3A_25 : i32 to vector<16xi32>
      %add3A_241 = arith.addi %add3A_231, %add3A_240 : vector<16xi32>
      %add3A_242 = arith.constant 0 : i32
      %add3A_243 = vector.broadcast %add3A_242 : i32 to vector<16xi32>
      %add3A_244 = arith.addi %xor3A_239, %add3A_243 : vector<16xi32>
      %add3A_245 = arith.constant 5 : i32
      %add3A_246 = vector.broadcast %add3A_245 : i32 to vector<16xi32>
      %add3A_247 = arith.addi %add3A_244, %add3A_246 : vector<16xi32>
      %xor3A_248 = arith.xori %add3A_241, %add3A_247 : vector<16xi32>
      %shift_right_logical3A_249 = arith.constant 9 : i32
      %shift_right_logical3A_250 = vector.broadcast %shift_right_logical3A_249 : i32 to vector<16xi32>
      %shift_right_logical3A_251 = arith.shrui %xor3A_248, %shift_right_logical3A_250 : vector<16xi32>
      %or3A_252 = arith.constant 1065353216 : i32
      %or3A_253 = vector.broadcast %or3A_252 : i32 to vector<16xi32>
      %or3A_254 = arith.ori %shift_right_logical3A_251, %or3A_253 : vector<16xi32>
      %bitcast_convert_type3A = tpu.bitcast %or3A_254 : vector<16xi32> -> vector<16xf32>
      %sub3A = arith.constant 1.000000e+00 : f32
      %sub3A_255 = vector.broadcast %sub3A : f32 to vector<16xf32>
      %sub3A_256 = arith.subf %bitcast_convert_type3A, %sub3A_255 : vector<16xf32>
      %lt3A = arith.cmpf olt, %sub3A_256, %get3A_21 : vector<16xf32>
      %jit3A = arith.constant 1.000000e+00 : f32
      %jit3A_257 = arith.constant 0.000000e+00 : f32
      %broadcast_in_dim3A_258 = vector.broadcast %jit3A : f32 to vector<16xf32>
      %broadcast_in_dim3A_259 = vector.broadcast %jit3A_257 : f32 to vector<16xf32>
      %select_n3A = arith.select %lt3A, %broadcast_in_dim3A_258, %broadcast_in_dim3A_259 : vector<16xi1>, vector<16xf32>
      %swap3A = arith.index_cast %add3A_16 : i32 to index
      %swap3A_260 = tpu.vector_load %arg5[%swap3A] {strides = array<i32>} : memref<2048xf32, #tpu.memory_space<vmem>>, vector<16xf32>,
      %swap3A_261 = vector.shape_cast %swap3A_260 : vector<16xf32> to vector<16xf32>
      %swap3A_262 = vector.shape_cast %select_n3A : vector<16xf32> to vector<16xf32>
      tpu.vector_store %arg5[%swap3A], %swap3A_262 {strides = array<i32>} : memref<2048xf32, #tpu.memory_space<vmem>>, vector<16xf32>,
      %add3A_263 = arith.constant 16 : i32
      %add3A_264 = arith.addi %mul3A_14, %add3A_263 : i32
      %add3A_265 = arith.addi %add3A_6, %add3A_264 : i32
      %add3A_266 = vector.broadcast %add3A_265 : i32 to vector<16xi32>
      %add3A_267 = arith.addi %add3A_266, %iota3A : vector<16xi32>
      %get3A_268 = arith.index_cast %add3A_264 : i32 to index
      %get3A_269 = tpu.vector_load %arg4[%get3A_268] {strides = array<i32>} : memref<2048xf32, #tpu.memory_space<vmem>>, vector<16xf32>,
      %get3A_270 = vector.shape_cast %get3A_269 : vector<16xf32> to vector<16xf32>
      %xor3A_271 = arith.constant 466688986 : i32
      %xor3A_272 = arith.constant 0 : i32
      %xor3A_273 = arith.xori %xor3A_271, %xor3A_272 : i32
      %xor3A_274 = arith.constant 1 : i32
      %xor3A_275 = arith.xori %xor3A_273, %xor3A_274 : i32
      %broadcast_in_dim3A_276 = arith.constant 0 : i32
      %broadcast_in_dim3A_277 = vector.broadcast %broadcast_in_dim3A_276 : i32 to vector<16xi32>
      %add3A_278 = arith.constant 1 : i32
      %add3A_279 = vector.broadcast %add3A_278 : i32 to vector<16xi32>
      %add3A_280 = arith.addi %add3A_267, %add3A_279 : vector<16xi32>
      %add3A_281 = arith.addi %broadcast_in_dim3A_277, %add3A_280 : vector<16xi32>
      %shift_left3A_282 = arith.constant 13 : i32
      %shift_left3A_283 = vector.broadcast %shift_left3A_282 : i32 to vector<16xi32>
      %shift_left3A_284 = arith.shli %add3A_280, %shift_left3A_283 : vector<16xi32>
      %shift_right_logical3A_285 = arith.constant 19 : i32
      %shift_right_logical3A_286 = vector.broadcast %shift_right_logical3A_285 : i32 to vector<16xi32>
      %shift_right_logical3A_287 = arith.shrui %add3A_280, %shift_right_logical3A_286 : vector<16xi32>
      %or3A_288 = arith.ori %shift_left3A_284, %shift_right_logical3A_287 : vector<16xi32>
      %xor3A_289 = arith.xori %or3A_288, %add3A_281 : vector<16xi32>
      %add3A_290 = arith.addi %add3A_281, %xor3A_289 : vector<16xi32>
      %shift_left3A_291 = arith.constant 15 : i32
      %shift_left3A_292 = vector.broadcast %shift_left3A_291 : i32 to vector<16xi32>
      %shift_left3A_293 = arith.shli %xor3A_289, %shift_left3A_292 : vector<16xi32>
      %shift_right_logical3A_294 = arith.constant 17 : i32
      %shift_right_logical3A_295 = vector.broadcast %shift_right_logical3A_294 : i32 to vector<16xi32>
      %shift_right_logical3A_296 = arith.shrui %xor3A_289, %shift_right_logical3A_295 : vector<16xi32>
      %or3A_297 = arith.ori %shift_left3A_293, %shift_right_logical3A_296 : vector<16xi32>
      %xor3A_298 = arith.xori %or3A_297, %add3A_290 : vector<16xi32>
      %add3A_299 = arith.addi %add3A_290, %xor3A_298 : vector<16xi32>
      %shift_left3A_300 = arith.constant 26 : i32
      %shift_left3A_301 = vector.broadcast %shift_left3A_300 : i32 to vector<16xi32>
      %shift_left3A_302 = arith.shli %xor3A_298, %shift_left3A_301 : vector<16xi32>
      %shift_right_logical3A_303 = arith.constant 6 : i32
      %shift_right_logical3A_304 = vector.broadcast %shift_right_logical3A_303 : i32 to vector<16xi32>
      %shift_right_logical3A_305 = arith.shrui %xor3A_298, %shift_right_logical3A_304 : vector<16xi32>
      %or3A_306 = arith.ori %shift_left3A_302, %shift_right_logical3A_305 : vector<16xi32>
      %xor3A_307 = arith.xori %or3A_306, %add3A_299 : vector<16xi32>
      %add3A_308 = arith.addi %add3A_299, %xor3A_307 : vector<16xi32>
      %shift_left3A_309 = arith.constant 6 : i32
      %shift_left3A_310 = vector.broadcast %shift_left3A_309 : i32 to vector<16xi32>
      %shift_left3A_311 = arith.shli %xor3A_307, %shift_left3A_310 : vector<16xi32>
      %shift_right_logical3A_312 = arith.constant 26 : i32
      %shift_right_logical3A_313 = vector.broadcast %shift_right_logical3A_312 : i32 to vector<16xi32>
      %shift_right_logical3A_314 = arith.shrui %xor3A_307, %shift_right_logical3A_313 : vector<16xi32>
      %or3A_315 = arith.ori %shift_left3A_311, %shift_right_logical3A_314 : vector<16xi32>
      %xor3A_316 = arith.xori %or3A_315, %add3A_308 : vector<16xi32>
      %add3A_317 = arith.constant 1 : i32
      %add3A_318 = vector.broadcast %add3A_317 : i32 to vector<16xi32>
      %add3A_319 = arith.addi %add3A_308, %add3A_318 : vector<16xi32>
      %add3A_320 = vector.broadcast %xor3A_275 : i32 to vector<16xi32>
      %add3A_321 = arith.addi %xor3A_316, %add3A_320 : vector<16xi32>
      %add3A_322 = arith.constant 1 : i32
      %add3A_323 = vector.broadcast %add3A_322 : i32 to vector<16xi32>
      %add3A_324 = arith.addi %add3A_321, %add3A_323 : vector<16xi32>
      %add3A_325 = arith.addi %add3A_319, %add3A_324 : vector<16xi32>
      %shift_left3A_326 = arith.constant 17 : i32
      %shift_left3A_327 = vector.broadcast %shift_left3A_326 : i32 to vector<16xi32>
      %shift_left3A_328 = arith.shli %add3A_324, %shift_left3A_327 : vector<16xi32>
      %shift_right_logical3A_329 = arith.constant 15 : i32
      %shift_right_logical3A_330 = vector.broadcast %shift_right_logical3A_329 : i32 to vector<16xi32>
      %shift_right_logical3A_331 = arith.shrui %add3A_324, %shift_right_logical3A_330 : vector<16xi32>
      %or3A_332 = arith.ori %shift_left3A_328, %shift_right_logical3A_331 : vector<16xi32>
      %xor3A_333 = arith.xori %or3A_332, %add3A_325 : vector<16xi32>
      %add3A_334 = arith.addi %add3A_325, %xor3A_333 : vector<16xi32>
      %shift_left3A_335 = arith.constant 29 : i32
      %shift_left3A_336 = vector.broadcast %shift_left3A_335 : i32 to vector<16xi32>
      %shift_left3A_337 = arith.shli %xor3A_333, %shift_left3A_336 : vector<16xi32>
      %shift_right_logical3A_338 = arith.constant 3 : i32
      %shift_right_logical3A_339 = vector.broadcast %shift_right_logical3A_338 : i32 to vector<16xi32>
      %shift_right_logical3A_340 = arith.shrui %xor3A_333, %shift_right_logical3A_339 : vector<16xi32>
      %or3A_341 = arith.ori %shift_left3A_337, %shift_right_logical3A_340 : vector<16xi32>
      %xor3A_342 = arith.xori %or3A_341, %add3A_334 : vector<16xi32>
      %add3A_343 = arith.addi %add3A_334, %xor3A_342 : vector<16xi32>
      %shift_left3A_344 = arith.constant 16 : i32
      %shift_left3A_345 = vector.broadcast %shift_left3A_344 : i32 to vector<16xi32>
      %shift_left3A_346 = arith.shli %xor3A_342, %shift_left3A_345 : vector<16xi32>
      %shift_right_logical3A_347 = arith.constant 16 : i32
      %shift_right_logical3A_348 = vector.broadcast %shift_right_logical3A_347 : i32 to vector<16xi32>
      %shift_right_logical3A_349 = arith.shrui %xor3A_342, %shift_right_logical3A_348 : vector<16xi32>
      %or3A_350 = arith.ori %shift_left3A_346, %shift_right_logical3A_349 : vector<16xi32>
      %xor3A_351 = arith.xori %or3A_350, %add3A_343 : vector<16xi32>
      %add3A_352 = arith.addi %add3A_343, %xor3A_351 : vector<16xi32>
      %shift_left3A_353 = arith.constant 24 : i32
      %shift_left3A_354 = vector.broadcast %shift_left3A_353 : i32 to vector<16xi32>
      %shift_left3A_355 = arith.shli %xor3A_351, %shift_left3A_354 : vector<16xi32>
      %shift_right_logical3A_356 = arith.constant 8 : i32
      %shift_right_logical3A_357 = vector.broadcast %shift_right_logical3A_356 : i32 to vector<16xi32>
      %shift_right_logical3A_358 = arith.shrui %xor3A_351, %shift_right_logical3A_357 : vector<16xi32>
      %or3A_359 = arith.ori %shift_left3A_355, %shift_right_logical3A_358 : vector<16xi32>
      %xor3A_360 = arith.xori %or3A_359, %add3A_352 : vector<16xi32>
      %add3A_361 = vector.broadcast %xor3A_275 : i32 to vector<16xi32>
      %add3A_362 = arith.addi %add3A_352, %add3A_361 : vector<16xi32>
      %add3A_363 = arith.constant 0 : i32
      %add3A_364 = vector.broadcast %add3A_363 : i32 to vector<16xi32>
      %add3A_365 = arith.addi %xor3A_360, %add3A_364 : vector<16xi32>
      %add3A_366 = arith.constant 2 : i32
      %add3A_367 = vector.broadcast %add3A_366 : i32 to vector<16xi32>
      %add3A_368 = arith.addi %add3A_365, %add3A_367 : vector<16xi32>
      %add3A_369 = arith.addi %add3A_362, %add3A_368 : vector<16xi32>
      %shift_left3A_370 = arith.constant 13 : i32
      %shift_left3A_371 = vector.broadcast %shift_left3A_370 : i32 to vector<16xi32>
      %shift_left3A_372 = arith.shli %add3A_368, %shift_left3A_371 : vector<16xi32>
      %shift_right_logical3A_373 = arith.constant 19 : i32
      %shift_right_logical3A_374 = vector.broadcast %shift_right_logical3A_373 : i32 to vector<16xi32>
      %shift_right_logical3A_375 = arith.shrui %add3A_368, %shift_right_logical3A_374 : vector<16xi32>
      %or3A_376 = arith.ori %shift_left3A_372, %shift_right_logical3A_375 : vector<16xi32>
      %xor3A_377 = arith.xori %or3A_376, %add3A_369 : vector<16xi32>
      %add3A_378 = arith.addi %add3A_369, %xor3A_377 : vector<16xi32>
      %shift_left3A_379 = arith.constant 15 : i32
      %shift_left3A_380 = vector.broadcast %shift_left3A_379 : i32 to vector<16xi32>
      %shift_left3A_381 = arith.shli %xor3A_377, %shift_left3A_380 : vector<16xi32>
      %shift_right_logical3A_382 = arith.constant 17 : i32
      %shift_right_logical3A_383 = vector.broadcast %shift_right_logical3A_382 : i32 to vector<16xi32>
      %shift_right_logical3A_384 = arith.shrui %xor3A_377, %shift_right_logical3A_383 : vector<16xi32>
      %or3A_385 = arith.ori %shift_left3A_381, %shift_right_logical3A_384 : vector<16xi32>
      %xor3A_386 = arith.xori %or3A_385, %add3A_378 : vector<16xi32>
      %add3A_387 = arith.addi %add3A_378, %xor3A_386 : vector<16xi32>
      %shift_left3A_388 = arith.constant 26 : i32
      %shift_left3A_389 = vector.broadcast %shift_left3A_388 : i32 to vector<16xi32>
      %shift_left3A_390 = arith.shli %xor3A_386, %shift_left3A_389 : vector<16xi32>
      %shift_right_logical3A_391 = arith.constant 6 : i32
      %shift_right_logical3A_392 = vector.broadcast %shift_right_logical3A_391 : i32 to vector<16xi32>
      %shift_right_logical3A_393 = arith.shrui %xor3A_386, %shift_right_logical3A_392 : vector<16xi32>
      %or3A_394 = arith.ori %shift_left3A_390, %shift_right_logical3A_393 : vector<16xi32>
      %xor3A_395 = arith.xori %or3A_394, %add3A_387 : vector<16xi32>
      %add3A_396 = arith.addi %add3A_387, %xor3A_395 : vector<16xi32>
      %shift_left3A_397 = arith.constant 6 : i32
      %shift_left3A_398 = vector.broadcast %shift_left3A_397 : i32 to vector<16xi32>
      %shift_left3A_399 = arith.shli %xor3A_395, %shift_left3A_398 : vector<16xi32>
      %shift_right_logical3A_400 = arith.constant 26 : i32
      %shift_right_logical3A_401 = vector.broadcast %shift_right_logical3A_400 : i32 to vector<16xi32>
      %shift_right_logical3A_402 = arith.shrui %xor3A_395, %shift_right_logical3A_401 : vector<16xi32>
      %or3A_403 = arith.ori %shift_left3A_399, %shift_right_logical3A_402 : vector<16xi32>
      %xor3A_404 = arith.xori %or3A_403, %add3A_396 : vector<16xi32>
      %add3A_405 = arith.constant 0 : i32
      %add3A_406 = vector.broadcast %add3A_405 : i32 to vector<16xi32>
      %add3A_407 = arith.addi %add3A_396, %add3A_406 : vector<16xi32>
      %add3A_408 = arith.constant 1 : i32
      %add3A_409 = vector.broadcast %add3A_408 : i32 to vector<16xi32>
      %add3A_410 = arith.addi %xor3A_404, %add3A_409 : vector<16xi32>
      %add3A_411 = arith.constant 3 : i32
      %add3A_412 = vector.broadcast %add3A_411 : i32 to vector<16xi32>
      %add3A_413 = arith.addi %add3A_410, %add3A_412 : vector<16xi32>
      %add3A_414 = arith.addi %add3A_407, %add3A_413 : vector<16xi32>
      %shift_left3A_415 = arith.constant 17 : i32
      %shift_left3A_416 = vector.broadcast %shift_left3A_415 : i32 to vector<16xi32>
      %shift_left3A_417 = arith.shli %add3A_413, %shift_left3A_416 : vector<16xi32>
      %shift_right_logical3A_418 = arith.constant 15 : i32
      %shift_right_logical3A_419 = vector.broadcast %shift_right_logical3A_418 : i32 to vector<16xi32>
      %shift_right_logical3A_420 = arith.shrui %add3A_413, %shift_right_logical3A_419 : vector<16xi32>
      %or3A_421 = arith.ori %shift_left3A_417, %shift_right_logical3A_420 : vector<16xi32>
      %xor3A_422 = arith.xori %or3A_421, %add3A_414 : vector<16xi32>
      %add3A_423 = arith.addi %add3A_414, %xor3A_422 : vector<16xi32>
      %shift_left3A_424 = arith.constant 29 : i32
      %shift_left3A_425 = vector.broadcast %shift_left3A_424 : i32 to vector<16xi32>
      %shift_left3A_426 = arith.shli %xor3A_422, %shift_left3A_425 : vector<16xi32>
      %shift_right_logical3A_427 = arith.constant 3 : i32
      %shift_right_logical3A_428 = vector.broadcast %shift_right_logical3A_427 : i32 to vector<16xi32>
      %shift_right_logical3A_429 = arith.shrui %xor3A_422, %shift_right_logical3A_428 : vector<16xi32>
      %or3A_430 = arith.ori %shift_left3A_426, %shift_right_logical3A_429 : vector<16xi32>
      %xor3A_431 = arith.xori %or3A_430, %add3A_423 : vector<16xi32>
      %add3A_432 = arith.addi %add3A_423, %xor3A_431 : vector<16xi32>
      %shift_left3A_433 = arith.constant 16 : i32
      %shift_left3A_434 = vector.broadcast %shift_left3A_433 : i32 to vector<16xi32>
      %shift_left3A_435 = arith.shli %xor3A_431, %shift_left3A_434 : vector<16xi32>
      %shift_right_logical3A_436 = arith.constant 16 : i32
      %shift_right_logical3A_437 = vector.broadcast %shift_right_logical3A_436 : i32 to vector<16xi32>
      %shift_right_logical3A_438 = arith.shrui %xor3A_431, %shift_right_logical3A_437 : vector<16xi32>
      %or3A_439 = arith.ori %shift_left3A_435, %shift_right_logical3A_438 : vector<16xi32>
      %xor3A_440 = arith.xori %or3A_439, %add3A_432 : vector<16xi32>
      %add3A_441 = arith.addi %add3A_432, %xor3A_440 : vector<16xi32>
      %shift_left3A_442 = arith.constant 24 : i32
      %shift_left3A_443 = vector.broadcast %shift_left3A_442 : i32 to vector<16xi32>
      %shift_left3A_444 = arith.shli %xor3A_440, %shift_left3A_443 : vector<16xi32>
      %shift_right_logical3A_445 = arith.constant 8 : i32
      %shift_right_logical3A_446 = vector.broadcast %shift_right_logical3A_445 : i32 to vector<16xi32>
      %shift_right_logical3A_447 = arith.shrui %xor3A_440, %shift_right_logical3A_446 : vector<16xi32>
      %or3A_448 = arith.ori %shift_left3A_444, %shift_right_logical3A_447 : vector<16xi32>
      %xor3A_449 = arith.xori %or3A_448, %add3A_441 : vector<16xi32>
      %add3A_450 = arith.constant 1 : i32
      %add3A_451 = vector.broadcast %add3A_450 : i32 to vector<16xi32>
      %add3A_452 = arith.addi %add3A_441, %add3A_451 : vector<16xi32>
      %add3A_453 = vector.broadcast %xor3A_275 : i32 to vector<16xi32>
      %add3A_454 = arith.addi %xor3A_449, %add3A_453 : vector<16xi32>
      %add3A_455 = arith.constant 4 : i32
      %add3A_456 = vector.broadcast %add3A_455 : i32 to vector<16xi32>
      %add3A_457 = arith.addi %add3A_454, %add3A_456 : vector<16xi32>
      %add3A_458 = arith.addi %add3A_452, %add3A_457 : vector<16xi32>
      %shift_left3A_459 = arith.constant 13 : i32
      %shift_left3A_460 = vector.broadcast %shift_left3A_459 : i32 to vector<16xi32>
      %shift_left3A_461 = arith.shli %add3A_457, %shift_left3A_460 : vector<16xi32>
      %shift_right_logical3A_462 = arith.constant 19 : i32
      %shift_right_logical3A_463 = vector.broadcast %shift_right_logical3A_462 : i32 to vector<16xi32>
      %shift_right_logical3A_464 = arith.shrui %add3A_457, %shift_right_logical3A_463 : vector<16xi32>
      %or3A_465 = arith.ori %shift_left3A_461, %shift_right_logical3A_464 : vector<16xi32>
      %xor3A_466 = arith.xori %or3A_465, %add3A_458 : vector<16xi32>
      %add3A_467 = arith.addi %add3A_458, %xor3A_466 : vector<16xi32>
      %shift_left3A_468 = arith.constant 15 : i32
      %shift_left3A_469 = vector.broadcast %shift_left3A_468 : i32 to vector<16xi32>
      %shift_left3A_470 = arith.shli %xor3A_466, %shift_left3A_469 : vector<16xi32>
      %shift_right_logical3A_471 = arith.constant 17 : i32
      %shift_right_logical3A_472 = vector.broadcast %shift_right_logical3A_471 : i32 to vector<16xi32>
      %shift_right_logical3A_473 = arith.shrui %xor3A_466, %shift_right_logical3A_472 : vector<16xi32>
      %or3A_474 = arith.ori %shift_left3A_470, %shift_right_logical3A_473 : vector<16xi32>
      %xor3A_475 = arith.xori %or3A_474, %add3A_467 : vector<16xi32>
      %add3A_476 = arith.addi %add3A_467, %xor3A_475 : vector<16xi32>
      %shift_left3A_477 = arith.constant 26 : i32
      %shift_left3A_478 = vector.broadcast %shift_left3A_477 : i32 to vector<16xi32>
      %shift_left3A_479 = arith.shli %xor3A_475, %shift_left3A_478 : vector<16xi32>
      %shift_right_logical3A_480 = arith.constant 6 : i32
      %shift_right_logical3A_481 = vector.broadcast %shift_right_logical3A_480 : i32 to vector<16xi32>
      %shift_right_logical3A_482 = arith.shrui %xor3A_475, %shift_right_logical3A_481 : vector<16xi32>
      %or3A_483 = arith.ori %shift_left3A_479, %shift_right_logical3A_482 : vector<16xi32>
      %xor3A_484 = arith.xori %or3A_483, %add3A_476 : vector<16xi32>
      %add3A_485 = arith.addi %add3A_476, %xor3A_484 : vector<16xi32>
      %shift_left3A_486 = arith.constant 6 : i32
      %shift_left3A_487 = vector.broadcast %shift_left3A_486 : i32 to vector<16xi32>
      %shift_left3A_488 = arith.shli %xor3A_484, %shift_left3A_487 : vector<16xi32>
      %shift_right_logical3A_489 = arith.constant 26 : i32
      %shift_right_logical3A_490 = vector.broadcast %shift_right_logical3A_489 : i32 to vector<16xi32>
      %shift_right_logical3A_491 = arith.shrui %xor3A_484, %shift_right_logical3A_490 : vector<16xi32>
      %or3A_492 = arith.ori %shift_left3A_488, %shift_right_logical3A_491 : vector<16xi32>
      %xor3A_493 = arith.xori %or3A_492, %add3A_485 : vector<16xi32>
      %add3A_494 = vector.broadcast %xor3A_275 : i32 to vector<16xi32>
      %add3A_495 = arith.addi %add3A_485, %add3A_494 : vector<16xi32>
      %add3A_496 = arith.constant 0 : i32
      %add3A_497 = vector.broadcast %add3A_496 : i32 to vector<16xi32>
      %add3A_498 = arith.addi %xor3A_493, %add3A_497 : vector<16xi32>
      %add3A_499 = arith.constant 5 : i32
      %add3A_500 = vector.broadcast %add3A_499 : i32 to vector<16xi32>
      %add3A_501 = arith.addi %add3A_498, %add3A_500 : vector<16xi32>
      %xor3A_502 = arith.xori %add3A_495, %add3A_501 : vector<16xi32>
      %shift_right_logical3A_503 = arith.constant 9 : i32
      %shift_right_logical3A_504 = vector.broadcast %shift_right_logical3A_503 : i32 to vector<16xi32>
      %shift_right_logical3A_505 = arith.shrui %xor3A_502, %shift_right_logical3A_504 : vector<16xi32>
      %or3A_506 = arith.constant 1065353216 : i32
      %or3A_507 = vector.broadcast %or3A_506 : i32 to vector<16xi32>
      %or3A_508 = arith.ori %shift_right_logical3A_505, %or3A_507 : vector<16xi32>
      %bitcast_convert_type3A_509 = tpu.bitcast %or3A_508 : vector<16xi32> -> vector<16xf32>
      %sub3A_510 = arith.constant 1.000000e+00 : f32
      %sub3A_511 = vector.broadcast %sub3A_510 : f32 to vector<16xf32>
      %sub3A_512 = arith.subf %bitcast_convert_type3A_509, %sub3A_511 : vector<16xf32>
      %lt3A_513 = arith.cmpf olt, %sub3A_512, %get3A_270 : vector<16xf32>
      %jit3A_514 = arith.constant 1.000000e+00 : f32
      %jit3A_515 = arith.constant 0.000000e+00 : f32
      %broadcast_in_dim3A_516 = vector.broadcast %jit3A_514 : f32 to vector<16xf32>
      %broadcast_in_dim3A_517 = vector.broadcast %jit3A_515 : f32 to vector<16xf32>
      %select_n3A_518 = arith.select %lt3A_513, %broadcast_in_dim3A_516, %broadcast_in_dim3A_517 : vector<16xi1>, vector<16xf32>
      %swap3A_519 = arith.index_cast %add3A_264 : i32 to index
      %swap3A_520 = tpu.vector_load %arg5[%swap3A_519] {strides = array<i32>} : memref<2048xf32, #tpu.memory_space<vmem>>, vector<16xf32>,
      %swap3A_521 = vector.shape_cast %swap3A_520 : vector<16xf32> to vector<16xf32>
      %swap3A_522 = vector.shape_cast %select_n3A_518 : vector<16xf32> to vector<16xf32>
      tpu.vector_store %arg5[%swap3A_519], %swap3A_522 {strides = array<i32>} : memref<2048xf32, #tpu.memory_space<vmem>>, vector<16xf32>,
      %add3A_523 = arith.constant 32 : i32
      %add3A_524 = arith.addi %mul3A_14, %add3A_523 : i32
      %add3A_525 = arith.addi %add3A_6, %add3A_524 : i32
      %add3A_526 = vector.broadcast %add3A_525 : i32 to vector<16xi32>
      %add3A_527 = arith.addi %add3A_526, %iota3A : vector<16xi32>
      %get3A_528 = arith.index_cast %add3A_524 : i32 to index
      %get3A_529 = tpu.vector_load %arg4[%get3A_528] {strides = array<i32>} : memref<2048xf32, #tpu.memory_space<vmem>>, vector<16xf32>,
      %get3A_530 = vector.shape_cast %get3A_529 : vector<16xf32> to vector<16xf32>
      %xor3A_531 = arith.constant 466688986 : i32
      %xor3A_532 = arith.constant 0 : i32
      %xor3A_533 = arith.xori %xor3A_531, %xor3A_532 : i32
      %xor3A_534 = arith.constant 1 : i32
      %xor3A_535 = arith.xori %xor3A_533, %xor3A_534 : i32
      %broadcast_in_dim3A_536 = arith.constant 0 : i32
      %broadcast_in_dim3A_537 = vector.broadcast %broadcast_in_dim3A_536 : i32 to vector<16xi32>
      %add3A_538 = arith.constant 1 : i32
      %add3A_539 = vector.broadcast %add3A_538 : i32 to vector<16xi32>
      %add3A_540 = arith.addi %add3A_527, %add3A_539 : vector<16xi32>
      %add3A_541 = arith.addi %broadcast_in_dim3A_537, %add3A_540 : vector<16xi32>
      %shift_left3A_542 = arith.constant 13 : i32
      %shift_left3A_543 = vector.broadcast %shift_left3A_542 : i32 to vector<16xi32>
      %shift_left3A_544 = arith.shli %add3A_540, %shift_left3A_543 : vector<16xi32>
      %shift_right_logical3A_545 = arith.constant 19 : i32
      %shift_right_logical3A_546 = vector.broadcast %shift_right_logical3A_545 : i32 to vector<16xi32>
      %shift_right_logical3A_547 = arith.shrui %add3A_540, %shift_right_logical3A_546 : vector<16xi32>
      %or3A_548 = arith.ori %shift_left3A_544, %shift_right_logical3A_547 : vector<16xi32>
      %xor3A_549 = arith.xori %or3A_548, %add3A_541 : vector<16xi32>
      %add3A_550 = arith.addi %add3A_541, %xor3A_549 : vector<16xi32>
      %shift_left3A_551 = arith.constant 15 : i32
      %shift_left3A_552 = vector.broadcast %shift_left3A_551 : i32 to vector<16xi32>
      %shift_left3A_553 = arith.shli %xor3A_549, %shift_left3A_552 : vector<16xi32>
      %shift_right_logical3A_554 = arith.constant 17 : i32
      %shift_right_logical3A_555 = vector.broadcast %shift_right_logical3A_554 : i32 to vector<16xi32>
      %shift_right_logical3A_556 = arith.shrui %xor3A_549, %shift_right_logical3A_555 : vector<16xi32>
      %or3A_557 = arith.ori %shift_left3A_553, %shift_right_logical3A_556 : vector<16xi32>
      %xor3A_558 = arith.xori %or3A_557, %add3A_550 : vector<16xi32>
      %add3A_559 = arith.addi %add3A_550, %xor3A_558 : vector<16xi32>
      %shift_left3A_560 = arith.constant 26 : i32
      %shift_left3A_561 = vector.broadcast %shift_left3A_560 : i32 to vector<16xi32>
      %shift_left3A_562 = arith.shli %xor3A_558, %shift_left3A_561 : vector<16xi32>
      %shift_right_logical3A_563 = arith.constant 6 : i32
      %shift_right_logical3A_564 = vector.broadcast %shift_right_logical3A_563 : i32 to vector<16xi32>
      %shift_right_logical3A_565 = arith.shrui %xor3A_558, %shift_right_logical3A_564 : vector<16xi32>
      %or3A_566 = arith.ori %shift_left3A_562, %shift_right_logical3A_565 : vector<16xi32>
      %xor3A_567 = arith.xori %or3A_566, %add3A_559 : vector<16xi32>
      %add3A_568 = arith.addi %add3A_559, %xor3A_567 : vector<16xi32>
      %shift_left3A_569 = arith.constant 6 : i32
      %shift_left3A_570 = vector.broadcast %shift_left3A_569 : i32 to vector<16xi32>
      %shift_left3A_571 = arith.shli %xor3A_567, %shift_left3A_570 : vector<16xi32>
      %shift_right_logical3A_572 = arith.constant 26 : i32
      %shift_right_logical3A_573 = vector.broadcast %shift_right_logical3A_572 : i32 to vector<16xi32>
      %shift_right_logical3A_574 = arith.shrui %xor3A_567, %shift_right_logical3A_573 : vector<16xi32>
      %or3A_575 = arith.ori %shift_left3A_571, %shift_right_logical3A_574 : vector<16xi32>
      %xor3A_576 = arith.xori %or3A_575, %add3A_568 : vector<16xi32>
      %add3A_577 = arith.constant 1 : i32
      %add3A_578 = vector.broadcast %add3A_577 : i32 to vector<16xi32>
      %add3A_579 = arith.addi %add3A_568, %add3A_578 : vector<16xi32>
      %add3A_580 = vector.broadcast %xor3A_535 : i32 to vector<16xi32>
      %add3A_581 = arith.addi %xor3A_576, %add3A_580 : vector<16xi32>
      %add3A_582 = arith.constant 1 : i32
      %add3A_583 = vector.broadcast %add3A_582 : i32 to vector<16xi32>
      %add3A_584 = arith.addi %add3A_581, %add3A_583 : vector<16xi32>
      %add3A_585 = arith.addi %add3A_579, %add3A_584 : vector<16xi32>
      %shift_left3A_586 = arith.constant 17 : i32
      %shift_left3A_587 = vector.broadcast %shift_left3A_586 : i32 to vector<16xi32>
      %shift_left3A_588 = arith.shli %add3A_584, %shift_left3A_587 : vector<16xi32>
      %shift_right_logical3A_589 = arith.constant 15 : i32
      %shift_right_logical3A_590 = vector.broadcast %shift_right_logical3A_589 : i32 to vector<16xi32>
      %shift_right_logical3A_591 = arith.shrui %add3A_584, %shift_right_logical3A_590 : vector<16xi32>
      %or3A_592 = arith.ori %shift_left3A_588, %shift_right_logical3A_591 : vector<16xi32>
      %xor3A_593 = arith.xori %or3A_592, %add3A_585 : vector<16xi32>
      %add3A_594 = arith.addi %add3A_585, %xor3A_593 : vector<16xi32>
      %shift_left3A_595 = arith.constant 29 : i32
      %shift_left3A_596 = vector.broadcast %shift_left3A_595 : i32 to vector<16xi32>
      %shift_left3A_597 = arith.shli %xor3A_593, %shift_left3A_596 : vector<16xi32>
      %shift_right_logical3A_598 = arith.constant 3 : i32
      %shift_right_logical3A_599 = vector.broadcast %shift_right_logical3A_598 : i32 to vector<16xi32>
      %shift_right_logical3A_600 = arith.shrui %xor3A_593, %shift_right_logical3A_599 : vector<16xi32>
      %or3A_601 = arith.ori %shift_left3A_597, %shift_right_logical3A_600 : vector<16xi32>
      %xor3A_602 = arith.xori %or3A_601, %add3A_594 : vector<16xi32>
      %add3A_603 = arith.addi %add3A_594, %xor3A_602 : vector<16xi32>
      %shift_left3A_604 = arith.constant 16 : i32
      %shift_left3A_605 = vector.broadcast %shift_left3A_604 : i32 to vector<16xi32>
      %shift_left3A_606 = arith.shli %xor3A_602, %shift_left3A_605 : vector<16xi32>
      %shift_right_logical3A_607 = arith.constant 16 : i32
      %shift_right_logical3A_608 = vector.broadcast %shift_right_logical3A_607 : i32 to vector<16xi32>
      %shift_right_logical3A_609 = arith.shrui %xor3A_602, %shift_right_logical3A_608 : vector<16xi32>
      %or3A_610 = arith.ori %shift_left3A_606, %shift_right_logical3A_609 : vector<16xi32>
      %xor3A_611 = arith.xori %or3A_610, %add3A_603 : vector<16xi32>
      %add3A_612 = arith.addi %add3A_603, %xor3A_611 : vector<16xi32>
      %shift_left3A_613 = arith.constant 24 : i32
      %shift_left3A_614 = vector.broadcast %shift_left3A_613 : i32 to vector<16xi32>
      %shift_left3A_615 = arith.shli %xor3A_611, %shift_left3A_614 : vector<16xi32>
      %shift_right_logical3A_616 = arith.constant 8 : i32
      %shift_right_logical3A_617 = vector.broadcast %shift_right_logical3A_616 : i32 to vector<16xi32>
      %shift_right_logical3A_618 = arith.shrui %xor3A_611, %shift_right_logical3A_617 : vector<16xi32>
      %or3A_619 = arith.ori %shift_left3A_615, %shift_right_logical3A_618 : vector<16xi32>
      %xor3A_620 = arith.xori %or3A_619, %add3A_612 : vector<16xi32>
      %add3A_621 = vector.broadcast %xor3A_535 : i32 to vector<16xi32>
      %add3A_622 = arith.addi %add3A_612, %add3A_621 : vector<16xi32>
      %add3A_623 = arith.constant 0 : i32
      %add3A_624 = vector.broadcast %add3A_623 : i32 to vector<16xi32>
      %add3A_625 = arith.addi %xor3A_620, %add3A_624 : vector<16xi32>
      %add3A_626 = arith.constant 2 : i32
      %add3A_627 = vector.broadcast %add3A_626 : i32 to vector<16xi32>
      %add3A_628 = arith.addi %add3A_625, %add3A_627 : vector<16xi32>
      %add3A_629 = arith.addi %add3A_622, %add3A_628 : vector<16xi32>
      %shift_left3A_630 = arith.constant 13 : i32
      %shift_left3A_631 = vector.broadcast %shift_left3A_630 : i32 to vector<16xi32>
      %shift_left3A_632 = arith.shli %add3A_628, %shift_left3A_631 : vector<16xi32>
      %shift_right_logical3A_633 = arith.constant 19 : i32
      %shift_right_logical3A_634 = vector.broadcast %shift_right_logical3A_633 : i32 to vector<16xi32>
      %shift_right_logical3A_635 = arith.shrui %add3A_628, %shift_right_logical3A_634 : vector<16xi32>
      %or3A_636 = arith.ori %shift_left3A_632, %shift_right_logical3A_635 : vector<16xi32>
      %xor3A_637 = arith.xori %or3A_636, %add3A_629 : vector<16xi32>
      %add3A_638 = arith.addi %add3A_629, %xor3A_637 : vector<16xi32>
      %shift_left3A_639 = arith.constant 15 : i32
      %shift_left3A_640 = vector.broadcast %shift_left3A_639 : i32 to vector<16xi32>
      %shift_left3A_641 = arith.shli %xor3A_637, %shift_left3A_640 : vector<16xi32>
      %shift_right_logical3A_642 = arith.constant 17 : i32
      %shift_right_logical3A_643 = vector.broadcast %shift_right_logical3A_642 : i32 to vector<16xi32>
      %shift_right_logical3A_644 = arith.shrui %xor3A_637, %shift_right_logical3A_643 : vector<16xi32>
      %or3A_645 = arith.ori %shift_left3A_641, %shift_right_logical3A_644 : vector<16xi32>
      %xor3A_646 = arith.xori %or3A_645, %add3A_638 : vector<16xi32>
      %add3A_647 = arith.addi %add3A_638, %xor3A_646 : vector<16xi32>
      %shift_left3A_648 = arith.constant 26 : i32
      %shift_left3A_649 = vector.broadcast %shift_left3A_648 : i32 to vector<16xi32>
      %shift_left3A_650 = arith.shli %xor3A_646, %shift_left3A_649 : vector<16xi32>
      %shift_right_logical3A_651 = arith.constant 6 : i32
      %shift_right_logical3A_652 = vector.broadcast %shift_right_logical3A_651 : i32 to vector<16xi32>
      %shift_right_logical3A_653 = arith.shrui %xor3A_646, %shift_right_logical3A_652 : vector<16xi32>
      %or3A_654 = arith.ori %shift_left3A_650, %shift_right_logical3A_653 : vector<16xi32>
      %xor3A_655 = arith.xori %or3A_654, %add3A_647 : vector<16xi32>
      %add3A_656 = arith.addi %add3A_647, %xor3A_655 : vector<16xi32>
      %shift_left3A_657 = arith.constant 6 : i32
      %shift_left3A_658 = vector.broadcast %shift_left3A_657 : i32 to vector<16xi32>
      %shift_left3A_659 = arith.shli %xor3A_655, %shift_left3A_658 : vector<16xi32>
      %shift_right_logical3A_660 = arith.constant 26 : i32
      %shift_right_logical3A_661 = vector.broadcast %shift_right_logical3A_660 : i32 to vector<16xi32>
      %shift_right_logical3A_662 = arith.shrui %xor3A_655, %shift_right_logical3A_661 : vector<16xi32>
      %or3A_663 = arith.ori %shift_left3A_659, %shift_right_logical3A_662 : vector<16xi32>
      %xor3A_664 = arith.xori %or3A_663, %add3A_656 : vector<16xi32>
      %add3A_665 = arith.constant 0 : i32
      %add3A_666 = vector.broadcast %add3A_665 : i32 to vector<16xi32>
      %add3A_667 = arith.addi %add3A_656, %add3A_666 : vector<16xi32>
      %add3A_668 = arith.constant 1 : i32
      %add3A_669 = vector.broadcast %add3A_668 : i32 to vector<16xi32>
      %add3A_670 = arith.addi %xor3A_664, %add3A_669 : vector<16xi32>
      %add3A_671 = arith.constant 3 : i32
      %add3A_672 = vector.broadcast %add3A_671 : i32 to vector<16xi32>
      %add3A_673 = arith.addi %add3A_670, %add3A_672 : vector<16xi32>
      %add3A_674 = arith.addi %add3A_667, %add3A_673 : vector<16xi32>
      %shift_left3A_675 = arith.constant 17 : i32
      %shift_left3A_676 = vector.broadcast %shift_left3A_675 : i32 to vector<16xi32>
      %shift_left3A_677 = arith.shli %add3A_673, %shift_left3A_676 : vector<16xi32>
      %shift_right_logical3A_678 = arith.constant 15 : i32
      %shift_right_logical3A_679 = vector.broadcast %shift_right_logical3A_678 : i32 to vector<16xi32>
      %shift_right_logical3A_680 = arith.shrui %add3A_673, %shift_right_logical3A_679 : vector<16xi32>
      %or3A_681 = arith.ori %shift_left3A_677, %shift_right_logical3A_680 : vector<16xi32>
      %xor3A_682 = arith.xori %or3A_681, %add3A_674 : vector<16xi32>
      %add3A_683 = arith.addi %add3A_674, %xor3A_682 : vector<16xi32>
      %shift_left3A_684 = arith.constant 29 : i32
      %shift_left3A_685 = vector.broadcast %shift_left3A_684 : i32 to vector<16xi32>
      %shift_left3A_686 = arith.shli %xor3A_682, %shift_left3A_685 : vector<16xi32>
      %shift_right_logical3A_687 = arith.constant 3 : i32
      %shift_right_logical3A_688 = vector.broadcast %shift_right_logical3A_687 : i32 to vector<16xi32>
      %shift_right_logical3A_689 = arith.shrui %xor3A_682, %shift_right_logical3A_688 : vector<16xi32>
      %or3A_690 = arith.ori %shift_left3A_686, %shift_right_logical3A_689 : vector<16xi32>
      %xor3A_691 = arith.xori %or3A_690, %add3A_683 : vector<16xi32>
      %add3A_692 = arith.addi %add3A_683, %xor3A_691 : vector<16xi32>
      %shift_left3A_693 = arith.constant 16 : i32
      %shift_left3A_694 = vector.broadcast %shift_left3A_693 : i32 to vector<16xi32>
      %shift_left3A_695 = arith.shli %xor3A_691, %shift_left3A_694 : vector<16xi32>
      %shift_right_logical3A_696 = arith.constant 16 : i32
      %shift_right_logical3A_697 = vector.broadcast %shift_right_logical3A_696 : i32 to vector<16xi32>
      %shift_right_logical3A_698 = arith.shrui %xor3A_691, %shift_right_logical3A_697 : vector<16xi32>
      %or3A_699 = arith.ori %shift_left3A_695, %shift_right_logical3A_698 : vector<16xi32>
      %xor3A_700 = arith.xori %or3A_699, %add3A_692 : vector<16xi32>
      %add3A_701 = arith.addi %add3A_692, %xor3A_700 : vector<16xi32>
      %shift_left3A_702 = arith.constant 24 : i32
      %shift_left3A_703 = vector.broadcast %shift_left3A_702 : i32 to vector<16xi32>
      %shift_left3A_704 = arith.shli %xor3A_700, %shift_left3A_703 : vector<16xi32>
      %shift_right_logical3A_705 = arith.constant 8 : i32
      %shift_right_logical3A_706 = vector.broadcast %shift_right_logical3A_705 : i32 to vector<16xi32>
      %shift_right_logical3A_707 = arith.shrui %xor3A_700, %shift_right_logical3A_706 : vector<16xi32>
      %or3A_708 = arith.ori %shift_left3A_704, %shift_right_logical3A_707 : vector<16xi32>
      %xor3A_709 = arith.xori %or3A_708, %add3A_701 : vector<16xi32>
      %add3A_710 = arith.constant 1 : i32
      %add3A_711 = vector.broadcast %add3A_710 : i32 to vector<16xi32>
      %add3A_712 = arith.addi %add3A_701, %add3A_711 : vector<16xi32>
      %add3A_713 = vector.broadcast %xor3A_535 : i32 to vector<16xi32>
      %add3A_714 = arith.addi %xor3A_709, %add3A_713 : vector<16xi32>
      %add3A_715 = arith.constant 4 : i32
      %add3A_716 = vector.broadcast %add3A_715 : i32 to vector<16xi32>
      %add3A_717 = arith.addi %add3A_714, %add3A_716 : vector<16xi32>
      %add3A_718 = arith.addi %add3A_712, %add3A_717 : vector<16xi32>
      %shift_left3A_719 = arith.constant 13 : i32
      %shift_left3A_720 = vector.broadcast %shift_left3A_719 : i32 to vector<16xi32>
      %shift_left3A_721 = arith.shli %add3A_717, %shift_left3A_720 : vector<16xi32>
      %shift_right_logical3A_722 = arith.constant 19 : i32
      %shift_right_logical3A_723 = vector.broadcast %shift_right_logical3A_722 : i32 to vector<16xi32>
      %shift_right_logical3A_724 = arith.shrui %add3A_717, %shift_right_logical3A_723 : vector<16xi32>
      %or3A_725 = arith.ori %shift_left3A_721, %shift_right_logical3A_724 : vector<16xi32>
      %xor3A_726 = arith.xori %or3A_725, %add3A_718 : vector<16xi32>
      %add3A_727 = arith.addi %add3A_718, %xor3A_726 : vector<16xi32>
      %shift_left3A_728 = arith.constant 15 : i32
      %shift_left3A_729 = vector.broadcast %shift_left3A_728 : i32 to vector<16xi32>
      %shift_left3A_730 = arith.shli %xor3A_726, %shift_left3A_729 : vector<16xi32>
      %shift_right_logical3A_731 = arith.constant 17 : i32
      %shift_right_logical3A_732 = vector.broadcast %shift_right_logical3A_731 : i32 to vector<16xi32>
      %shift_right_logical3A_733 = arith.shrui %xor3A_726, %shift_right_logical3A_732 : vector<16xi32>
      %or3A_734 = arith.ori %shift_left3A_730, %shift_right_logical3A_733 : vector<16xi32>
      %xor3A_735 = arith.xori %or3A_734, %add3A_727 : vector<16xi32>
      %add3A_736 = arith.addi %add3A_727, %xor3A_735 : vector<16xi32>
      %shift_left3A_737 = arith.constant 26 : i32
      %shift_left3A_738 = vector.broadcast %shift_left3A_737 : i32 to vector<16xi32>
      %shift_left3A_739 = arith.shli %xor3A_735, %shift_left3A_738 : vector<16xi32>
      %shift_right_logical3A_740 = arith.constant 6 : i32
      %shift_right_logical3A_741 = vector.broadcast %shift_right_logical3A_740 : i32 to vector<16xi32>
      %shift_right_logical3A_742 = arith.shrui %xor3A_735, %shift_right_logical3A_741 : vector<16xi32>
      %or3A_743 = arith.ori %shift_left3A_739, %shift_right_logical3A_742 : vector<16xi32>
      %xor3A_744 = arith.xori %or3A_743, %add3A_736 : vector<16xi32>
      %add3A_745 = arith.addi %add3A_736, %xor3A_744 : vector<16xi32>
      %shift_left3A_746 = arith.constant 6 : i32
      %shift_left3A_747 = vector.broadcast %shift_left3A_746 : i32 to vector<16xi32>
      %shift_left3A_748 = arith.shli %xor3A_744, %shift_left3A_747 : vector<16xi32>
      %shift_right_logical3A_749 = arith.constant 26 : i32
      %shift_right_logical3A_750 = vector.broadcast %shift_right_logical3A_749 : i32 to vector<16xi32>
      %shift_right_logical3A_751 = arith.shrui %xor3A_744, %shift_right_logical3A_750 : vector<16xi32>
      %or3A_752 = arith.ori %shift_left3A_748, %shift_right_logical3A_751 : vector<16xi32>
      %xor3A_753 = arith.xori %or3A_752, %add3A_745 : vector<16xi32>
      %add3A_754 = vector.broadcast %xor3A_535 : i32 to vector<16xi32>
      %add3A_755 = arith.addi %add3A_745, %add3A_754 : vector<16xi32>
      %add3A_756 = arith.constant 0 : i32
      %add3A_757 = vector.broadcast %add3A_756 : i32 to vector<16xi32>
      %add3A_758 = arith.addi %xor3A_753, %add3A_757 : vector<16xi32>
      %add3A_759 = arith.constant 5 : i32
      %add3A_760 = vector.broadcast %add3A_759 : i32 to vector<16xi32>
      %add3A_761 = arith.addi %add3A_758, %add3A_760 : vector<16xi32>
      %xor3A_762 = arith.xori %add3A_755, %add3A_761 : vector<16xi32>
      %shift_right_logical3A_763 = arith.constant 9 : i32
      %shift_right_logical3A_764 = vector.broadcast %shift_right_logical3A_763 : i32 to vector<16xi32>
      %shift_right_logical3A_765 = arith.shrui %xor3A_762, %shift_right_logical3A_764 : vector<16xi32>
      %or3A_766 = arith.constant 1065353216 : i32
      %or3A_767 = vector.broadcast %or3A_766 : i32 to vector<16xi32>
      %or3A_768 = arith.ori %shift_right_logical3A_765, %or3A_767 : vector<16xi32>
      %bitcast_convert_type3A_769 = tpu.bitcast %or3A_768 : vector<16xi32> -> vector<16xf32>
      %sub3A_770 = arith.constant 1.000000e+00 : f32
      %sub3A_771 = vector.broadcast %sub3A_770 : f32 to vector<16xf32>
      %sub3A_772 = arith.subf %bitcast_convert_type3A_769, %sub3A_771 : vector<16xf32>
      %lt3A_773 = arith.cmpf olt, %sub3A_772, %get3A_530 : vector<16xf32>
      %jit3A_774 = arith.constant 1.000000e+00 : f32
      %jit3A_775 = arith.constant 0.000000e+00 : f32
      %broadcast_in_dim3A_776 = vector.broadcast %jit3A_774 : f32 to vector<16xf32>
      %broadcast_in_dim3A_777 = vector.broadcast %jit3A_775 : f32 to vector<16xf32>
      %select_n3A_778 = arith.select %lt3A_773, %broadcast_in_dim3A_776, %broadcast_in_dim3A_777 : vector<16xi1>, vector<16xf32>
      %swap3A_779 = arith.index_cast %add3A_524 : i32 to index
      %swap3A_780 = tpu.vector_load %arg5[%swap3A_779] {strides = array<i32>} : memref<2048xf32, #tpu.memory_space<vmem>>, vector<16xf32>,
      %swap3A_781 = vector.shape_cast %swap3A_780 : vector<16xf32> to vector<16xf32>
      %swap3A_782 = vector.shape_cast %select_n3A_778 : vector<16xf32> to vector<16xf32>
      tpu.vector_store %arg5[%swap3A_779], %swap3A_782 {strides = array<i32>} : memref<2048xf32, #tpu.memory_space<vmem>>, vector<16xf32>,
      %add3A_783 = arith.constant 48 : i32
      %add3A_784 = arith.addi %mul3A_14, %add3A_783 : i32
      %add3A_785 = arith.addi %add3A_6, %add3A_784 : i32
      %add3A_786 = vector.broadcast %add3A_785 : i32 to vector<16xi32>
      %add3A_787 = arith.addi %add3A_786, %iota3A : vector<16xi32>
      %get3A_788 = arith.index_cast %add3A_784 : i32 to index
      %get3A_789 = tpu.vector_load %arg4[%get3A_788] {strides = array<i32>} : memref<2048xf32, #tpu.memory_space<vmem>>, vector<16xf32>,
      %get3A_790 = vector.shape_cast %get3A_789 : vector<16xf32> to vector<16xf32>
      %xor3A_791 = arith.constant 466688986 : i32
      %xor3A_792 = arith.constant 0 : i32
      %xor3A_793 = arith.xori %xor3A_791, %xor3A_792 : i32
      %xor3A_794 = arith.constant 1 : i32
      %xor3A_795 = arith.xori %xor3A_793, %xor3A_794 : i32
      %broadcast_in_dim3A_796 = arith.constant 0 : i32
      %broadcast_in_dim3A_797 = vector.broadcast %broadcast_in_dim3A_796 : i32 to vector<16xi32>
      %add3A_798 = arith.constant 1 : i32
      %add3A_799 = vector.broadcast %add3A_798 : i32 to vector<16xi32>
      %add3A_800 = arith.addi %add3A_787, %add3A_799 : vector<16xi32>
      %add3A_801 = arith.addi %broadcast_in_dim3A_797, %add3A_800 : vector<16xi32>
      %shift_left3A_802 = arith.constant 13 : i32
      %shift_left3A_803 = vector.broadcast %shift_left3A_802 : i32 to vector<16xi32>
      %shift_left3A_804 = arith.shli %add3A_800, %shift_left3A_803 : vector<16xi32>
      %shift_right_logical3A_805 = arith.constant 19 : i32
      %shift_right_logical3A_806 = vector.broadcast %shift_right_logical3A_805 : i32 to vector<16xi32>
      %shift_right_logical3A_807 = arith.shrui %add3A_800, %shift_right_logical3A_806 : vector<16xi32>
      %or3A_808 = arith.ori %shift_left3A_804, %shift_right_logical3A_807 : vector<16xi32>
      %xor3A_809 = arith.xori %or3A_808, %add3A_801 : vector<16xi32>
      %add3A_810 = arith.addi %add3A_801, %xor3A_809 : vector<16xi32>
      %shift_left3A_811 = arith.constant 15 : i32
      %shift_left3A_812 = vector.broadcast %shift_left3A_811 : i32 to vector<16xi32>
      %shift_left3A_813 = arith.shli %xor3A_809, %shift_left3A_812 : vector<16xi32>
      %shift_right_logical3A_814 = arith.constant 17 : i32
      %shift_right_logical3A_815 = vector.broadcast %shift_right_logical3A_814 : i32 to vector<16xi32>
      %shift_right_logical3A_816 = arith.shrui %xor3A_809, %shift_right_logical3A_815 : vector<16xi32>
      %or3A_817 = arith.ori %shift_left3A_813, %shift_right_logical3A_816 : vector<16xi32>
      %xor3A_818 = arith.xori %or3A_817, %add3A_810 : vector<16xi32>
      %add3A_819 = arith.addi %add3A_810, %xor3A_818 : vector<16xi32>
      %shift_left3A_820 = arith.constant 26 : i32
      %shift_left3A_821 = vector.broadcast %shift_left3A_820 : i32 to vector<16xi32>
      %shift_left3A_822 = arith.shli %xor3A_818, %shift_left3A_821 : vector<16xi32>
      %shift_right_logical3A_823 = arith.constant 6 : i32
      %shift_right_logical3A_824 = vector.broadcast %shift_right_logical3A_823 : i32 to vector<16xi32>
      %shift_right_logical3A_825 = arith.shrui %xor3A_818, %shift_right_logical3A_824 : vector<16xi32>
      %or3A_826 = arith.ori %shift_left3A_822, %shift_right_logical3A_825 : vector<16xi32>
      %xor3A_827 = arith.xori %or3A_826, %add3A_819 : vector<16xi32>
      %add3A_828 = arith.addi %add3A_819, %xor3A_827 : vector<16xi32>
      %shift_left3A_829 = arith.constant 6 : i32
      %shift_left3A_830 = vector.broadcast %shift_left3A_829 : i32 to vector<16xi32>
      %shift_left3A_831 = arith.shli %xor3A_827, %shift_left3A_830 : vector<16xi32>
      %shift_right_logical3A_832 = arith.constant 26 : i32
      %shift_right_logical3A_833 = vector.broadcast %shift_right_logical3A_832 : i32 to vector<16xi32>
      %shift_right_logical3A_834 = arith.shrui %xor3A_827, %shift_right_logical3A_833 : vector<16xi32>
      %or3A_835 = arith.ori %shift_left3A_831, %shift_right_logical3A_834 : vector<16xi32>
      %xor3A_836 = arith.xori %or3A_835, %add3A_828 : vector<16xi32>
      %add3A_837 = arith.constant 1 : i32
      %add3A_838 = vector.broadcast %add3A_837 : i32 to vector<16xi32>
      %add3A_839 = arith.addi %add3A_828, %add3A_838 : vector<16xi32>
      %add3A_840 = vector.broadcast %xor3A_795 : i32 to vector<16xi32>
      %add3A_841 = arith.addi %xor3A_836, %add3A_840 : vector<16xi32>
      %add3A_842 = arith.constant 1 : i32
      %add3A_843 = vector.broadcast %add3A_842 : i32 to vector<16xi32>
      %add3A_844 = arith.addi %add3A_841, %add3A_843 : vector<16xi32>
      %add3A_845 = arith.addi %add3A_839, %add3A_844 : vector<16xi32>
      %shift_left3A_846 = arith.constant 17 : i32
      %shift_left3A_847 = vector.broadcast %shift_left3A_846 : i32 to vector<16xi32>
      %shift_left3A_848 = arith.shli %add3A_844, %shift_left3A_847 : vector<16xi32>
      %shift_right_logical3A_849 = arith.constant 15 : i32
      %shift_right_logical3A_850 = vector.broadcast %shift_right_logical3A_849 : i32 to vector<16xi32>
      %shift_right_logical3A_851 = arith.shrui %add3A_844, %shift_right_logical3A_850 : vector<16xi32>
      %or3A_852 = arith.ori %shift_left3A_848, %shift_right_logical3A_851 : vector<16xi32>
      %xor3A_853 = arith.xori %or3A_852, %add3A_845 : vector<16xi32>
      %add3A_854 = arith.addi %add3A_845, %xor3A_853 : vector<16xi32>
      %shift_left3A_855 = arith.constant 29 : i32
      %shift_left3A_856 = vector.broadcast %shift_left3A_855 : i32 to vector<16xi32>
      %shift_left3A_857 = arith.shli %xor3A_853, %shift_left3A_856 : vector<16xi32>
      %shift_right_logical3A_858 = arith.constant 3 : i32
      %shift_right_logical3A_859 = vector.broadcast %shift_right_logical3A_858 : i32 to vector<16xi32>
      %shift_right_logical3A_860 = arith.shrui %xor3A_853, %shift_right_logical3A_859 : vector<16xi32>
      %or3A_861 = arith.ori %shift_left3A_857, %shift_right_logical3A_860 : vector<16xi32>
      %xor3A_862 = arith.xori %or3A_861, %add3A_854 : vector<16xi32>
      %add3A_863 = arith.addi %add3A_854, %xor3A_862 : vector<16xi32>
      %shift_left3A_864 = arith.constant 16 : i32
      %shift_left3A_865 = vector.broadcast %shift_left3A_864 : i32 to vector<16xi32>
      %shift_left3A_866 = arith.shli %xor3A_862, %shift_left3A_865 : vector<16xi32>
      %shift_right_logical3A_867 = arith.constant 16 : i32
      %shift_right_logical3A_868 = vector.broadcast %shift_right_logical3A_867 : i32 to vector<16xi32>
      %shift_right_logical3A_869 = arith.shrui %xor3A_862, %shift_right_logical3A_868 : vector<16xi32>
      %or3A_870 = arith.ori %shift_left3A_866, %shift_right_logical3A_869 : vector<16xi32>
      %xor3A_871 = arith.xori %or3A_870, %add3A_863 : vector<16xi32>
      %add3A_872 = arith.addi %add3A_863, %xor3A_871 : vector<16xi32>
      %shift_left3A_873 = arith.constant 24 : i32
      %shift_left3A_874 = vector.broadcast %shift_left3A_873 : i32 to vector<16xi32>
      %shift_left3A_875 = arith.shli %xor3A_871, %shift_left3A_874 : vector<16xi32>
      %shift_right_logical3A_876 = arith.constant 8 : i32
      %shift_right_logical3A_877 = vector.broadcast %shift_right_logical3A_876 : i32 to vector<16xi32>
      %shift_right_logical3A_878 = arith.shrui %xor3A_871, %shift_right_logical3A_877 : vector<16xi32>
      %or3A_879 = arith.ori %shift_left3A_875, %shift_right_logical3A_878 : vector<16xi32>
      %xor3A_880 = arith.xori %or3A_879, %add3A_872 : vector<16xi32>
      %add3A_881 = vector.broadcast %xor3A_795 : i32 to vector<16xi32>
      %add3A_882 = arith.addi %add3A_872, %add3A_881 : vector<16xi32>
      %add3A_883 = arith.constant 0 : i32
      %add3A_884 = vector.broadcast %add3A_883 : i32 to vector<16xi32>
      %add3A_885 = arith.addi %xor3A_880, %add3A_884 : vector<16xi32>
      %add3A_886 = arith.constant 2 : i32
      %add3A_887 = vector.broadcast %add3A_886 : i32 to vector<16xi32>
      %add3A_888 = arith.addi %add3A_885, %add3A_887 : vector<16xi32>
      %add3A_889 = arith.addi %add3A_882, %add3A_888 : vector<16xi32>
      %shift_left3A_890 = arith.constant 13 : i32
      %shift_left3A_891 = vector.broadcast %shift_left3A_890 : i32 to vector<16xi32>
      %shift_left3A_892 = arith.shli %add3A_888, %shift_left3A_891 : vector<16xi32>
      %shift_right_logical3A_893 = arith.constant 19 : i32
      %shift_right_logical3A_894 = vector.broadcast %shift_right_logical3A_893 : i32 to vector<16xi32>
      %shift_right_logical3A_895 = arith.shrui %add3A_888, %shift_right_logical3A_894 : vector<16xi32>
      %or3A_896 = arith.ori %shift_left3A_892, %shift_right_logical3A_895 : vector<16xi32>
      %xor3A_897 = arith.xori %or3A_896, %add3A_889 : vector<16xi32>
      %add3A_898 = arith.addi %add3A_889, %xor3A_897 : vector<16xi32>
      %shift_left3A_899 = arith.constant 15 : i32
      %shift_left3A_900 = vector.broadcast %shift_left3A_899 : i32 to vector<16xi32>
      %shift_left3A_901 = arith.shli %xor3A_897, %shift_left3A_900 : vector<16xi32>
      %shift_right_logical3A_902 = arith.constant 17 : i32
      %shift_right_logical3A_903 = vector.broadcast %shift_right_logical3A_902 : i32 to vector<16xi32>
      %shift_right_logical3A_904 = arith.shrui %xor3A_897, %shift_right_logical3A_903 : vector<16xi32>
      %or3A_905 = arith.ori %shift_left3A_901, %shift_right_logical3A_904 : vector<16xi32>
      %xor3A_906 = arith.xori %or3A_905, %add3A_898 : vector<16xi32>
      %add3A_907 = arith.addi %add3A_898, %xor3A_906 : vector<16xi32>
      %shift_left3A_908 = arith.constant 26 : i32
      %shift_left3A_909 = vector.broadcast %shift_left3A_908 : i32 to vector<16xi32>
      %shift_left3A_910 = arith.shli %xor3A_906, %shift_left3A_909 : vector<16xi32>
      %shift_right_logical3A_911 = arith.constant 6 : i32
      %shift_right_logical3A_912 = vector.broadcast %shift_right_logical3A_911 : i32 to vector<16xi32>
      %shift_right_logical3A_913 = arith.shrui %xor3A_906, %shift_right_logical3A_912 : vector<16xi32>
      %or3A_914 = arith.ori %shift_left3A_910, %shift_right_logical3A_913 : vector<16xi32>
      %xor3A_915 = arith.xori %or3A_914, %add3A_907 : vector<16xi32>
      %add3A_916 = arith.addi %add3A_907, %xor3A_915 : vector<16xi32>
      %shift_left3A_917 = arith.constant 6 : i32
      %shift_left3A_918 = vector.broadcast %shift_left3A_917 : i32 to vector<16xi32>
      %shift_left3A_919 = arith.shli %xor3A_915, %shift_left3A_918 : vector<16xi32>
      %shift_right_logical3A_920 = arith.constant 26 : i32
      %shift_right_logical3A_921 = vector.broadcast %shift_right_logical3A_920 : i32 to vector<16xi32>
      %shift_right_logical3A_922 = arith.shrui %xor3A_915, %shift_right_logical3A_921 : vector<16xi32>
      %or3A_923 = arith.ori %shift_left3A_919, %shift_right_logical3A_922 : vector<16xi32>
      %xor3A_924 = arith.xori %or3A_923, %add3A_916 : vector<16xi32>
      %add3A_925 = arith.constant 0 : i32
      %add3A_926 = vector.broadcast %add3A_925 : i32 to vector<16xi32>
      %add3A_927 = arith.addi %add3A_916, %add3A_926 : vector<16xi32>
      %add3A_928 = arith.constant 1 : i32
      %add3A_929 = vector.broadcast %add3A_928 : i32 to vector<16xi32>
      %add3A_930 = arith.addi %xor3A_924, %add3A_929 : vector<16xi32>
      %add3A_931 = arith.constant 3 : i32
      %add3A_932 = vector.broadcast %add3A_931 : i32 to vector<16xi32>
      %add3A_933 = arith.addi %add3A_930, %add3A_932 : vector<16xi32>
      %add3A_934 = arith.addi %add3A_927, %add3A_933 : vector<16xi32>
      %shift_left3A_935 = arith.constant 17 : i32
      %shift_left3A_936 = vector.broadcast %shift_left3A_935 : i32 to vector<16xi32>
      %shift_left3A_937 = arith.shli %add3A_933, %shift_left3A_936 : vector<16xi32>
      %shift_right_logical3A_938 = arith.constant 15 : i32
      %shift_right_logical3A_939 = vector.broadcast %shift_right_logical3A_938 : i32 to vector<16xi32>
      %shift_right_logical3A_940 = arith.shrui %add3A_933, %shift_right_logical3A_939 : vector<16xi32>
      %or3A_941 = arith.ori %shift_left3A_937, %shift_right_logical3A_940 : vector<16xi32>
      %xor3A_942 = arith.xori %or3A_941, %add3A_934 : vector<16xi32>
      %add3A_943 = arith.addi %add3A_934, %xor3A_942 : vector<16xi32>
      %shift_left3A_944 = arith.constant 29 : i32
      %shift_left3A_945 = vector.broadcast %shift_left3A_944 : i32 to vector<16xi32>
      %shift_left3A_946 = arith.shli %xor3A_942, %shift_left3A_945 : vector<16xi32>
      %shift_right_logical3A_947 = arith.constant 3 : i32
      %shift_right_logical3A_948 = vector.broadcast %shift_right_logical3A_947 : i32 to vector<16xi32>
      %shift_right_logical3A_949 = arith.shrui %xor3A_942, %shift_right_logical3A_948 : vector<16xi32>
      %or3A_950 = arith.ori %shift_left3A_946, %shift_right_logical3A_949 : vector<16xi32>
      %xor3A_951 = arith.xori %or3A_950, %add3A_943 : vector<16xi32>
      %add3A_952 = arith.addi %add3A_943, %xor3A_951 : vector<16xi32>
      %shift_left3A_953 = arith.constant 16 : i32
      %shift_left3A_954 = vector.broadcast %shift_left3A_953 : i32 to vector<16xi32>
      %shift_left3A_955 = arith.shli %xor3A_951, %shift_left3A_954 : vector<16xi32>
      %shift_right_logical3A_956 = arith.constant 16 : i32
      %shift_right_logical3A_957 = vector.broadcast %shift_right_logical3A_956 : i32 to vector<16xi32>
      %shift_right_logical3A_958 = arith.shrui %xor3A_951, %shift_right_logical3A_957 : vector<16xi32>
      %or3A_959 = arith.ori %shift_left3A_955, %shift_right_logical3A_958 : vector<16xi32>
      %xor3A_960 = arith.xori %or3A_959, %add3A_952 : vector<16xi32>
      %add3A_961 = arith.addi %add3A_952, %xor3A_960 : vector<16xi32>
      %shift_left3A_962 = arith.constant 24 : i32
      %shift_left3A_963 = vector.broadcast %shift_left3A_962 : i32 to vector<16xi32>
      %shift_left3A_964 = arith.shli %xor3A_960, %shift_left3A_963 : vector<16xi32>
      %shift_right_logical3A_965 = arith.constant 8 : i32
      %shift_right_logical3A_966 = vector.broadcast %shift_right_logical3A_965 : i32 to vector<16xi32>
      %shift_right_logical3A_967 = arith.shrui %xor3A_960, %shift_right_logical3A_966 : vector<16xi32>
      %or3A_968 = arith.ori %shift_left3A_964, %shift_right_logical3A_967 : vector<16xi32>
      %xor3A_969 = arith.xori %or3A_968, %add3A_961 : vector<16xi32>
      %add3A_970 = arith.constant 1 : i32
      %add3A_971 = vector.broadcast %add3A_970 : i32 to vector<16xi32>
      %add3A_972 = arith.addi %add3A_961, %add3A_971 : vector<16xi32>
      %add3A_973 = vector.broadcast %xor3A_795 : i32 to vector<16xi32>
      %add3A_974 = arith.addi %xor3A_969, %add3A_973 : vector<16xi32>
      %add3A_975 = arith.constant 4 : i32
      %add3A_976 = vector.broadcast %add3A_975 : i32 to vector<16xi32>
      %add3A_977 = arith.addi %add3A_974, %add3A_976 : vector<16xi32>
      %add3A_978 = arith.addi %add3A_972, %add3A_977 : vector<16xi32>
      %shift_left3A_979 = arith.constant 13 : i32
      %shift_left3A_980 = vector.broadcast %shift_left3A_979 : i32 to vector<16xi32>
      %shift_left3A_981 = arith.shli %add3A_977, %shift_left3A_980 : vector<16xi32>
      %shift_right_logical3A_982 = arith.constant 19 : i32
      %shift_right_logical3A_983 = vector.broadcast %shift_right_logical3A_982 : i32 to vector<16xi32>
      %shift_right_logical3A_984 = arith.shrui %add3A_977, %shift_right_logical3A_983 : vector<16xi32>
      %or3A_985 = arith.ori %shift_left3A_981, %shift_right_logical3A_984 : vector<16xi32>
      %xor3A_986 = arith.xori %or3A_985, %add3A_978 : vector<16xi32>
      %add3A_987 = arith.addi %add3A_978, %xor3A_986 : vector<16xi32>
      %shift_left3A_988 = arith.constant 15 : i32
      %shift_left3A_989 = vector.broadcast %shift_left3A_988 : i32 to vector<16xi32>
      %shift_left3A_990 = arith.shli %xor3A_986, %shift_left3A_989 : vector<16xi32>
      %shift_right_logical3A_991 = arith.constant 17 : i32
      %shift_right_logical3A_992 = vector.broadcast %shift_right_logical3A_991 : i32 to vector<16xi32>
      %shift_right_logical3A_993 = arith.shrui %xor3A_986, %shift_right_logical3A_992 : vector<16xi32>
      %or3A_994 = arith.ori %shift_left3A_990, %shift_right_logical3A_993 : vector<16xi32>
      %xor3A_995 = arith.xori %or3A_994, %add3A_987 : vector<16xi32>
      %add3A_996 = arith.addi %add3A_987, %xor3A_995 : vector<16xi32>
      %shift_left3A_997 = arith.constant 26 : i32
      %shift_left3A_998 = vector.broadcast %shift_left3A_997 : i32 to vector<16xi32>
      %shift_left3A_999 = arith.shli %xor3A_995, %shift_left3A_998 : vector<16xi32>
      %shift_right_logical3A_1000 = arith.constant 6 : i32
      %shift_right_logical3A_1001 = vector.broadcast %shift_right_logical3A_1000 : i32 to vector<16xi32>
      %shift_right_logical3A_1002 = arith.shrui %xor3A_995, %shift_right_logical3A_1001 : vector<16xi32>
      %or3A_1003 = arith.ori %shift_left3A_999, %shift_right_logical3A_1002 : vector<16xi32>
      %xor3A_1004 = arith.xori %or3A_1003, %add3A_996 : vector<16xi32>
      %add3A_1005 = arith.addi %add3A_996, %xor3A_1004 : vector<16xi32>
      %shift_left3A_1006 = arith.constant 6 : i32
      %shift_left3A_1007 = vector.broadcast %shift_left3A_1006 : i32 to vector<16xi32>
      %shift_left3A_1008 = arith.shli %xor3A_1004, %shift_left3A_1007 : vector<16xi32>
      %shift_right_logical3A_1009 = arith.constant 26 : i32
      %shift_right_logical3A_1010 = vector.broadcast %shift_right_logical3A_1009 : i32 to vector<16xi32>
      %shift_right_logical3A_1011 = arith.shrui %xor3A_1004, %shift_right_logical3A_1010 : vector<16xi32>
      %or3A_1012 = arith.ori %shift_left3A_1008, %shift_right_logical3A_1011 : vector<16xi32>
      %xor3A_1013 = arith.xori %or3A_1012, %add3A_1005 : vector<16xi32>
      %add3A_1014 = vector.broadcast %xor3A_795 : i32 to vector<16xi32>
      %add3A_1015 = arith.addi %add3A_1005, %add3A_1014 : vector<16xi32>
      %add3A_1016 = arith.constant 0 : i32
      %add3A_1017 = vector.broadcast %add3A_1016 : i32 to vector<16xi32>
      %add3A_1018 = arith.addi %xor3A_1013, %add3A_1017 : vector<16xi32>
      %add3A_1019 = arith.constant 5 : i32
      %add3A_1020 = vector.broadcast %add3A_1019 : i32 to vector<16xi32>
      %add3A_1021 = arith.addi %add3A_1018, %add3A_1020 : vector<16xi32>
      %xor3A_1022 = arith.xori %add3A_1015, %add3A_1021 : vector<16xi32>
      %shift_right_logical3A_1023 = arith.constant 9 : i32
      %shift_right_logical3A_1024 = vector.broadcast %shift_right_logical3A_1023 : i32 to vector<16xi32>
      %shift_right_logical3A_1025 = arith.shrui %xor3A_1022, %shift_right_logical3A_1024 : vector<16xi32>
      %or3A_1026 = arith.constant 1065353216 : i32
      %or3A_1027 = vector.broadcast %or3A_1026 : i32 to vector<16xi32>
      %or3A_1028 = arith.ori %shift_right_logical3A_1025, %or3A_1027 : vector<16xi32>
      %bitcast_convert_type3A_1029 = tpu.bitcast %or3A_1028 : vector<16xi32> -> vector<16xf32>
      %sub3A_1030 = arith.constant 1.000000e+00 : f32
      %sub3A_1031 = vector.broadcast %sub3A_1030 : f32 to vector<16xf32>
      %sub3A_1032 = arith.subf %bitcast_convert_type3A_1029, %sub3A_1031 : vector<16xf32>
      %lt3A_1033 = arith.cmpf olt, %sub3A_1032, %get3A_790 : vector<16xf32>
      %jit3A_1034 = arith.constant 1.000000e+00 : f32
      %jit3A_1035 = arith.constant 0.000000e+00 : f32
      %broadcast_in_dim3A_1036 = vector.broadcast %jit3A_1034 : f32 to vector<16xf32>
      %broadcast_in_dim3A_1037 = vector.broadcast %jit3A_1035 : f32 to vector<16xf32>
      %select_n3A_1038 = arith.select %lt3A_1033, %broadcast_in_dim3A_1036, %broadcast_in_dim3A_1037 : vector<16xi1>, vector<16xf32>
      %swap3A_1039 = arith.index_cast %add3A_784 : i32 to index
      %swap3A_1040 = tpu.vector_load %arg5[%swap3A_1039] {strides = array<i32>} : memref<2048xf32, #tpu.memory_space<vmem>>, vector<16xf32>,
      %swap3A_1041 = vector.shape_cast %swap3A_1040 : vector<16xf32> to vector<16xf32>
      %swap3A_1042 = vector.shape_cast %select_n3A_1038 : vector<16xf32> to vector<16xf32>
      tpu.vector_store %arg5[%swap3A_1039], %swap3A_1042 {strides = array<i32>} : memref<2048xf32, #tpu.memory_space<vmem>>, vector<16xf32>,
    }
    %scan3A_11 = arith.constant 32 : i32
    "tpu.region"() ({
      %run_scoped3A = tpu.sem_alloc : memref<!tpu.dma_semaphore, #tpu.memory_space<semaphore_mem>>
      %dma_start3A = tpu.memref_slice %arg3[%mul3A_2] : memref<65536xf32, #tpu.memory_space<hbm>> -> memref<2048xf32, #tpu.memory_space<hbm>>
      %dma_start3A_12 = tpu.memref_slice %arg3[%mul3A_2] : memref<65536xf32, #tpu.memory_space<hbm>> -> memref<2048xf32, #tpu.memory_space<hbm>>
      tpu.enqueue_dma source(%arg5 : memref<2048xf32, #tpu.memory_space<vmem>>) target(%dma_start3A_12 : memref<2048xf32, #tpu.memory_space<hbm>>) target_semaphore(%run_scoped3A : memref<!tpu.dma_semaphore, #tpu.memory_space<semaphore_mem>>)
      %dma_wait3A = tpu.memref_slice %arg3[%mul3A_2] : memref<65536xf32, #tpu.memory_space<hbm>> -> memref<2048xf32, #tpu.memory_space<hbm>>
      %dma_wait3A_13 = tpu.memref_slice %arg3[%mul3A_2] : memref<65536xf32, #tpu.memory_space<hbm>> -> memref<2048xf32, #tpu.memory_space<hbm>>
      tpu.wait_dma2 semaphore(%run_scoped3A : memref<!tpu.dma_semaphore, #tpu.memory_space<semaphore_mem>>) src(%arg5 : memref<2048xf32, #tpu.memory_space<vmem>>) dst(%dma_wait3A_13 : memref<2048xf32, #tpu.memory_space<hbm>>)
      tpu.yield
    }) : () -> ()
    return
  }
}

module attributes {stable_mosaic.version = 14 : i64} {
  func.func @_tc_block(%arg0: i32, %arg1: memref<125952xf32, #tpu.memory_space<vmem>>, %arg2: memref<125952xf32, #tpu.memory_space<vmem>>) attributes {dimension_semantics = [#tpu.dimension_semantics<arbitrary>], iteration_bounds = array<i64: 8>, scalar_prefetch = 0 : i64, scratch_operands = 0 : i64, tpu.core_type = #tpu.core_type<tc>, window_params = [{transform_indices = @transform_0, window_bounds = array<i64: 125952>}, {transform_indices = @transform_1, window_bounds = array<i64: 125952>}]} {
    %mul3A = arith.constant 125952 : i32
    %mul3A_0 = arith.muli %arg0, %mul3A : i32
    %iota3A = tpu.iota {dimensions = array<i32: 0>} : vector<984x128xi32>
    %iota3A_1 = tpu.iota {dimensions = array<i32: 1>} : vector<984x128xi32>
    %mul3A_2 = arith.constant 128 : i32
    %mul3A_3 = vector.broadcast %mul3A_2 : i32 to vector<984x128xi32>
    %mul3A_4 = arith.muli %iota3A, %mul3A_3 : vector<984x128xi32>
    %add3A = vector.broadcast %mul3A_0 : i32 to vector<984x128xi32>
    %add3A_5 = arith.addi %add3A, %mul3A_4 : vector<984x128xi32>
    %add3A_6 = arith.addi %add3A_5, %iota3A_1 : vector<984x128xi32>
    %get3A = arith.constant 0 : index
    %get3A_7 = vector.load %arg1[%get3A] : memref<125952xf32, #tpu.memory_space<vmem>>, vector<125952xf32>
    %reshape3A = vector.shape_cast %get3A_7 : vector<125952xf32> to vector<984x128xf32>
    %xor3A = arith.constant 466688986 : i32
    %xor3A_8 = arith.constant 0 : i32
    %xor3A_9 = arith.xori %xor3A, %xor3A_8 : i32
    %xor3A_10 = arith.constant 1 : i32
    %xor3A_11 = arith.xori %xor3A_9, %xor3A_10 : i32
    %broadcast_in_dim3A = arith.constant 0 : i32
    %broadcast_in_dim3A_12 = vector.broadcast %broadcast_in_dim3A : i32 to vector<984x128xi32>
    %add3A_13 = arith.constant 1 : i32
    %add3A_14 = vector.broadcast %add3A_13 : i32 to vector<984x128xi32>
    %add3A_15 = arith.addi %add3A_6, %add3A_14 : vector<984x128xi32>
    %add3A_16 = arith.addi %broadcast_in_dim3A_12, %add3A_15 : vector<984x128xi32>
    %shift_left3A = arith.constant 13 : i32
    %shift_left3A_17 = vector.broadcast %shift_left3A : i32 to vector<984x128xi32>
    %shift_left3A_18 = arith.shli %add3A_15, %shift_left3A_17 : vector<984x128xi32>
    %shift_right_logical3A = arith.constant 19 : i32
    %shift_right_logical3A_19 = vector.broadcast %shift_right_logical3A : i32 to vector<984x128xi32>
    %shift_right_logical3A_20 = arith.shrui %add3A_15, %shift_right_logical3A_19 : vector<984x128xi32>
    %or3A = arith.ori %shift_left3A_18, %shift_right_logical3A_20 : vector<984x128xi32>
    %xor3A_21 = arith.xori %or3A, %add3A_16 : vector<984x128xi32>
    %add3A_22 = arith.addi %add3A_16, %xor3A_21 : vector<984x128xi32>
    %shift_left3A_23 = arith.constant 15 : i32
    %shift_left3A_24 = vector.broadcast %shift_left3A_23 : i32 to vector<984x128xi32>
    %shift_left3A_25 = arith.shli %xor3A_21, %shift_left3A_24 : vector<984x128xi32>
    %shift_right_logical3A_26 = arith.constant 17 : i32
    %shift_right_logical3A_27 = vector.broadcast %shift_right_logical3A_26 : i32 to vector<984x128xi32>
    %shift_right_logical3A_28 = arith.shrui %xor3A_21, %shift_right_logical3A_27 : vector<984x128xi32>
    %or3A_29 = arith.ori %shift_left3A_25, %shift_right_logical3A_28 : vector<984x128xi32>
    %xor3A_30 = arith.xori %or3A_29, %add3A_22 : vector<984x128xi32>
    %add3A_31 = arith.addi %add3A_22, %xor3A_30 : vector<984x128xi32>
    %shift_left3A_32 = arith.constant 26 : i32
    %shift_left3A_33 = vector.broadcast %shift_left3A_32 : i32 to vector<984x128xi32>
    %shift_left3A_34 = arith.shli %xor3A_30, %shift_left3A_33 : vector<984x128xi32>
    %shift_right_logical3A_35 = arith.constant 6 : i32
    %shift_right_logical3A_36 = vector.broadcast %shift_right_logical3A_35 : i32 to vector<984x128xi32>
    %shift_right_logical3A_37 = arith.shrui %xor3A_30, %shift_right_logical3A_36 : vector<984x128xi32>
    %or3A_38 = arith.ori %shift_left3A_34, %shift_right_logical3A_37 : vector<984x128xi32>
    %xor3A_39 = arith.xori %or3A_38, %add3A_31 : vector<984x128xi32>
    %add3A_40 = arith.addi %add3A_31, %xor3A_39 : vector<984x128xi32>
    %shift_left3A_41 = arith.constant 6 : i32
    %shift_left3A_42 = vector.broadcast %shift_left3A_41 : i32 to vector<984x128xi32>
    %shift_left3A_43 = arith.shli %xor3A_39, %shift_left3A_42 : vector<984x128xi32>
    %shift_right_logical3A_44 = arith.constant 26 : i32
    %shift_right_logical3A_45 = vector.broadcast %shift_right_logical3A_44 : i32 to vector<984x128xi32>
    %shift_right_logical3A_46 = arith.shrui %xor3A_39, %shift_right_logical3A_45 : vector<984x128xi32>
    %or3A_47 = arith.ori %shift_left3A_43, %shift_right_logical3A_46 : vector<984x128xi32>
    %xor3A_48 = arith.xori %or3A_47, %add3A_40 : vector<984x128xi32>
    %add3A_49 = arith.constant 1 : i32
    %add3A_50 = vector.broadcast %add3A_49 : i32 to vector<984x128xi32>
    %add3A_51 = arith.addi %add3A_40, %add3A_50 : vector<984x128xi32>
    %add3A_52 = vector.broadcast %xor3A_11 : i32 to vector<984x128xi32>
    %add3A_53 = arith.addi %xor3A_48, %add3A_52 : vector<984x128xi32>
    %add3A_54 = arith.constant 1 : i32
    %add3A_55 = vector.broadcast %add3A_54 : i32 to vector<984x128xi32>
    %add3A_56 = arith.addi %add3A_53, %add3A_55 : vector<984x128xi32>
    %add3A_57 = arith.addi %add3A_51, %add3A_56 : vector<984x128xi32>
    %shift_left3A_58 = arith.constant 17 : i32
    %shift_left3A_59 = vector.broadcast %shift_left3A_58 : i32 to vector<984x128xi32>
    %shift_left3A_60 = arith.shli %add3A_56, %shift_left3A_59 : vector<984x128xi32>
    %shift_right_logical3A_61 = arith.constant 15 : i32
    %shift_right_logical3A_62 = vector.broadcast %shift_right_logical3A_61 : i32 to vector<984x128xi32>
    %shift_right_logical3A_63 = arith.shrui %add3A_56, %shift_right_logical3A_62 : vector<984x128xi32>
    %or3A_64 = arith.ori %shift_left3A_60, %shift_right_logical3A_63 : vector<984x128xi32>
    %xor3A_65 = arith.xori %or3A_64, %add3A_57 : vector<984x128xi32>
    %add3A_66 = arith.addi %add3A_57, %xor3A_65 : vector<984x128xi32>
    %shift_left3A_67 = arith.constant 29 : i32
    %shift_left3A_68 = vector.broadcast %shift_left3A_67 : i32 to vector<984x128xi32>
    %shift_left3A_69 = arith.shli %xor3A_65, %shift_left3A_68 : vector<984x128xi32>
    %shift_right_logical3A_70 = arith.constant 3 : i32
    %shift_right_logical3A_71 = vector.broadcast %shift_right_logical3A_70 : i32 to vector<984x128xi32>
    %shift_right_logical3A_72 = arith.shrui %xor3A_65, %shift_right_logical3A_71 : vector<984x128xi32>
    %or3A_73 = arith.ori %shift_left3A_69, %shift_right_logical3A_72 : vector<984x128xi32>
    %xor3A_74 = arith.xori %or3A_73, %add3A_66 : vector<984x128xi32>
    %add3A_75 = arith.addi %add3A_66, %xor3A_74 : vector<984x128xi32>
    %shift_left3A_76 = arith.constant 16 : i32
    %shift_left3A_77 = vector.broadcast %shift_left3A_76 : i32 to vector<984x128xi32>
    %shift_left3A_78 = arith.shli %xor3A_74, %shift_left3A_77 : vector<984x128xi32>
    %shift_right_logical3A_79 = arith.constant 16 : i32
    %shift_right_logical3A_80 = vector.broadcast %shift_right_logical3A_79 : i32 to vector<984x128xi32>
    %shift_right_logical3A_81 = arith.shrui %xor3A_74, %shift_right_logical3A_80 : vector<984x128xi32>
    %or3A_82 = arith.ori %shift_left3A_78, %shift_right_logical3A_81 : vector<984x128xi32>
    %xor3A_83 = arith.xori %or3A_82, %add3A_75 : vector<984x128xi32>
    %add3A_84 = arith.addi %add3A_75, %xor3A_83 : vector<984x128xi32>
    %shift_left3A_85 = arith.constant 24 : i32
    %shift_left3A_86 = vector.broadcast %shift_left3A_85 : i32 to vector<984x128xi32>
    %shift_left3A_87 = arith.shli %xor3A_83, %shift_left3A_86 : vector<984x128xi32>
    %shift_right_logical3A_88 = arith.constant 8 : i32
    %shift_right_logical3A_89 = vector.broadcast %shift_right_logical3A_88 : i32 to vector<984x128xi32>
    %shift_right_logical3A_90 = arith.shrui %xor3A_83, %shift_right_logical3A_89 : vector<984x128xi32>
    %or3A_91 = arith.ori %shift_left3A_87, %shift_right_logical3A_90 : vector<984x128xi32>
    %xor3A_92 = arith.xori %or3A_91, %add3A_84 : vector<984x128xi32>
    %add3A_93 = vector.broadcast %xor3A_11 : i32 to vector<984x128xi32>
    %add3A_94 = arith.addi %add3A_84, %add3A_93 : vector<984x128xi32>
    %add3A_95 = arith.constant 0 : i32
    %add3A_96 = vector.broadcast %add3A_95 : i32 to vector<984x128xi32>
    %add3A_97 = arith.addi %xor3A_92, %add3A_96 : vector<984x128xi32>
    %add3A_98 = arith.constant 2 : i32
    %add3A_99 = vector.broadcast %add3A_98 : i32 to vector<984x128xi32>
    %add3A_100 = arith.addi %add3A_97, %add3A_99 : vector<984x128xi32>
    %add3A_101 = arith.addi %add3A_94, %add3A_100 : vector<984x128xi32>
    %shift_left3A_102 = arith.constant 13 : i32
    %shift_left3A_103 = vector.broadcast %shift_left3A_102 : i32 to vector<984x128xi32>
    %shift_left3A_104 = arith.shli %add3A_100, %shift_left3A_103 : vector<984x128xi32>
    %shift_right_logical3A_105 = arith.constant 19 : i32
    %shift_right_logical3A_106 = vector.broadcast %shift_right_logical3A_105 : i32 to vector<984x128xi32>
    %shift_right_logical3A_107 = arith.shrui %add3A_100, %shift_right_logical3A_106 : vector<984x128xi32>
    %or3A_108 = arith.ori %shift_left3A_104, %shift_right_logical3A_107 : vector<984x128xi32>
    %xor3A_109 = arith.xori %or3A_108, %add3A_101 : vector<984x128xi32>
    %add3A_110 = arith.addi %add3A_101, %xor3A_109 : vector<984x128xi32>
    %shift_left3A_111 = arith.constant 15 : i32
    %shift_left3A_112 = vector.broadcast %shift_left3A_111 : i32 to vector<984x128xi32>
    %shift_left3A_113 = arith.shli %xor3A_109, %shift_left3A_112 : vector<984x128xi32>
    %shift_right_logical3A_114 = arith.constant 17 : i32
    %shift_right_logical3A_115 = vector.broadcast %shift_right_logical3A_114 : i32 to vector<984x128xi32>
    %shift_right_logical3A_116 = arith.shrui %xor3A_109, %shift_right_logical3A_115 : vector<984x128xi32>
    %or3A_117 = arith.ori %shift_left3A_113, %shift_right_logical3A_116 : vector<984x128xi32>
    %xor3A_118 = arith.xori %or3A_117, %add3A_110 : vector<984x128xi32>
    %add3A_119 = arith.addi %add3A_110, %xor3A_118 : vector<984x128xi32>
    %shift_left3A_120 = arith.constant 26 : i32
    %shift_left3A_121 = vector.broadcast %shift_left3A_120 : i32 to vector<984x128xi32>
    %shift_left3A_122 = arith.shli %xor3A_118, %shift_left3A_121 : vector<984x128xi32>
    %shift_right_logical3A_123 = arith.constant 6 : i32
    %shift_right_logical3A_124 = vector.broadcast %shift_right_logical3A_123 : i32 to vector<984x128xi32>
    %shift_right_logical3A_125 = arith.shrui %xor3A_118, %shift_right_logical3A_124 : vector<984x128xi32>
    %or3A_126 = arith.ori %shift_left3A_122, %shift_right_logical3A_125 : vector<984x128xi32>
    %xor3A_127 = arith.xori %or3A_126, %add3A_119 : vector<984x128xi32>
    %add3A_128 = arith.addi %add3A_119, %xor3A_127 : vector<984x128xi32>
    %shift_left3A_129 = arith.constant 6 : i32
    %shift_left3A_130 = vector.broadcast %shift_left3A_129 : i32 to vector<984x128xi32>
    %shift_left3A_131 = arith.shli %xor3A_127, %shift_left3A_130 : vector<984x128xi32>
    %shift_right_logical3A_132 = arith.constant 26 : i32
    %shift_right_logical3A_133 = vector.broadcast %shift_right_logical3A_132 : i32 to vector<984x128xi32>
    %shift_right_logical3A_134 = arith.shrui %xor3A_127, %shift_right_logical3A_133 : vector<984x128xi32>
    %or3A_135 = arith.ori %shift_left3A_131, %shift_right_logical3A_134 : vector<984x128xi32>
    %xor3A_136 = arith.xori %or3A_135, %add3A_128 : vector<984x128xi32>
    %add3A_137 = arith.constant 0 : i32
    %add3A_138 = vector.broadcast %add3A_137 : i32 to vector<984x128xi32>
    %add3A_139 = arith.addi %add3A_128, %add3A_138 : vector<984x128xi32>
    %add3A_140 = arith.constant 1 : i32
    %add3A_141 = vector.broadcast %add3A_140 : i32 to vector<984x128xi32>
    %add3A_142 = arith.addi %xor3A_136, %add3A_141 : vector<984x128xi32>
    %add3A_143 = arith.constant 3 : i32
    %add3A_144 = vector.broadcast %add3A_143 : i32 to vector<984x128xi32>
    %add3A_145 = arith.addi %add3A_142, %add3A_144 : vector<984x128xi32>
    %add3A_146 = arith.addi %add3A_139, %add3A_145 : vector<984x128xi32>
    %shift_left3A_147 = arith.constant 17 : i32
    %shift_left3A_148 = vector.broadcast %shift_left3A_147 : i32 to vector<984x128xi32>
    %shift_left3A_149 = arith.shli %add3A_145, %shift_left3A_148 : vector<984x128xi32>
    %shift_right_logical3A_150 = arith.constant 15 : i32
    %shift_right_logical3A_151 = vector.broadcast %shift_right_logical3A_150 : i32 to vector<984x128xi32>
    %shift_right_logical3A_152 = arith.shrui %add3A_145, %shift_right_logical3A_151 : vector<984x128xi32>
    %or3A_153 = arith.ori %shift_left3A_149, %shift_right_logical3A_152 : vector<984x128xi32>
    %xor3A_154 = arith.xori %or3A_153, %add3A_146 : vector<984x128xi32>
    %add3A_155 = arith.addi %add3A_146, %xor3A_154 : vector<984x128xi32>
    %shift_left3A_156 = arith.constant 29 : i32
    %shift_left3A_157 = vector.broadcast %shift_left3A_156 : i32 to vector<984x128xi32>
    %shift_left3A_158 = arith.shli %xor3A_154, %shift_left3A_157 : vector<984x128xi32>
    %shift_right_logical3A_159 = arith.constant 3 : i32
    %shift_right_logical3A_160 = vector.broadcast %shift_right_logical3A_159 : i32 to vector<984x128xi32>
    %shift_right_logical3A_161 = arith.shrui %xor3A_154, %shift_right_logical3A_160 : vector<984x128xi32>
    %or3A_162 = arith.ori %shift_left3A_158, %shift_right_logical3A_161 : vector<984x128xi32>
    %xor3A_163 = arith.xori %or3A_162, %add3A_155 : vector<984x128xi32>
    %add3A_164 = arith.addi %add3A_155, %xor3A_163 : vector<984x128xi32>
    %shift_left3A_165 = arith.constant 16 : i32
    %shift_left3A_166 = vector.broadcast %shift_left3A_165 : i32 to vector<984x128xi32>
    %shift_left3A_167 = arith.shli %xor3A_163, %shift_left3A_166 : vector<984x128xi32>
    %shift_right_logical3A_168 = arith.constant 16 : i32
    %shift_right_logical3A_169 = vector.broadcast %shift_right_logical3A_168 : i32 to vector<984x128xi32>
    %shift_right_logical3A_170 = arith.shrui %xor3A_163, %shift_right_logical3A_169 : vector<984x128xi32>
    %or3A_171 = arith.ori %shift_left3A_167, %shift_right_logical3A_170 : vector<984x128xi32>
    %xor3A_172 = arith.xori %or3A_171, %add3A_164 : vector<984x128xi32>
    %add3A_173 = arith.addi %add3A_164, %xor3A_172 : vector<984x128xi32>
    %shift_left3A_174 = arith.constant 24 : i32
    %shift_left3A_175 = vector.broadcast %shift_left3A_174 : i32 to vector<984x128xi32>
    %shift_left3A_176 = arith.shli %xor3A_172, %shift_left3A_175 : vector<984x128xi32>
    %shift_right_logical3A_177 = arith.constant 8 : i32
    %shift_right_logical3A_178 = vector.broadcast %shift_right_logical3A_177 : i32 to vector<984x128xi32>
    %shift_right_logical3A_179 = arith.shrui %xor3A_172, %shift_right_logical3A_178 : vector<984x128xi32>
    %or3A_180 = arith.ori %shift_left3A_176, %shift_right_logical3A_179 : vector<984x128xi32>
    %xor3A_181 = arith.xori %or3A_180, %add3A_173 : vector<984x128xi32>
    %add3A_182 = arith.constant 1 : i32
    %add3A_183 = vector.broadcast %add3A_182 : i32 to vector<984x128xi32>
    %add3A_184 = arith.addi %add3A_173, %add3A_183 : vector<984x128xi32>
    %add3A_185 = vector.broadcast %xor3A_11 : i32 to vector<984x128xi32>
    %add3A_186 = arith.addi %xor3A_181, %add3A_185 : vector<984x128xi32>
    %add3A_187 = arith.constant 4 : i32
    %add3A_188 = vector.broadcast %add3A_187 : i32 to vector<984x128xi32>
    %add3A_189 = arith.addi %add3A_186, %add3A_188 : vector<984x128xi32>
    %add3A_190 = arith.addi %add3A_184, %add3A_189 : vector<984x128xi32>
    %shift_left3A_191 = arith.constant 13 : i32
    %shift_left3A_192 = vector.broadcast %shift_left3A_191 : i32 to vector<984x128xi32>
    %shift_left3A_193 = arith.shli %add3A_189, %shift_left3A_192 : vector<984x128xi32>
    %shift_right_logical3A_194 = arith.constant 19 : i32
    %shift_right_logical3A_195 = vector.broadcast %shift_right_logical3A_194 : i32 to vector<984x128xi32>
    %shift_right_logical3A_196 = arith.shrui %add3A_189, %shift_right_logical3A_195 : vector<984x128xi32>
    %or3A_197 = arith.ori %shift_left3A_193, %shift_right_logical3A_196 : vector<984x128xi32>
    %xor3A_198 = arith.xori %or3A_197, %add3A_190 : vector<984x128xi32>
    %add3A_199 = arith.addi %add3A_190, %xor3A_198 : vector<984x128xi32>
    %shift_left3A_200 = arith.constant 15 : i32
    %shift_left3A_201 = vector.broadcast %shift_left3A_200 : i32 to vector<984x128xi32>
    %shift_left3A_202 = arith.shli %xor3A_198, %shift_left3A_201 : vector<984x128xi32>
    %shift_right_logical3A_203 = arith.constant 17 : i32
    %shift_right_logical3A_204 = vector.broadcast %shift_right_logical3A_203 : i32 to vector<984x128xi32>
    %shift_right_logical3A_205 = arith.shrui %xor3A_198, %shift_right_logical3A_204 : vector<984x128xi32>
    %or3A_206 = arith.ori %shift_left3A_202, %shift_right_logical3A_205 : vector<984x128xi32>
    %xor3A_207 = arith.xori %or3A_206, %add3A_199 : vector<984x128xi32>
    %add3A_208 = arith.addi %add3A_199, %xor3A_207 : vector<984x128xi32>
    %shift_left3A_209 = arith.constant 26 : i32
    %shift_left3A_210 = vector.broadcast %shift_left3A_209 : i32 to vector<984x128xi32>
    %shift_left3A_211 = arith.shli %xor3A_207, %shift_left3A_210 : vector<984x128xi32>
    %shift_right_logical3A_212 = arith.constant 6 : i32
    %shift_right_logical3A_213 = vector.broadcast %shift_right_logical3A_212 : i32 to vector<984x128xi32>
    %shift_right_logical3A_214 = arith.shrui %xor3A_207, %shift_right_logical3A_213 : vector<984x128xi32>
    %or3A_215 = arith.ori %shift_left3A_211, %shift_right_logical3A_214 : vector<984x128xi32>
    %xor3A_216 = arith.xori %or3A_215, %add3A_208 : vector<984x128xi32>
    %add3A_217 = arith.addi %add3A_208, %xor3A_216 : vector<984x128xi32>
    %shift_left3A_218 = arith.constant 6 : i32
    %shift_left3A_219 = vector.broadcast %shift_left3A_218 : i32 to vector<984x128xi32>
    %shift_left3A_220 = arith.shli %xor3A_216, %shift_left3A_219 : vector<984x128xi32>
    %shift_right_logical3A_221 = arith.constant 26 : i32
    %shift_right_logical3A_222 = vector.broadcast %shift_right_logical3A_221 : i32 to vector<984x128xi32>
    %shift_right_logical3A_223 = arith.shrui %xor3A_216, %shift_right_logical3A_222 : vector<984x128xi32>
    %or3A_224 = arith.ori %shift_left3A_220, %shift_right_logical3A_223 : vector<984x128xi32>
    %xor3A_225 = arith.xori %or3A_224, %add3A_217 : vector<984x128xi32>
    %add3A_226 = vector.broadcast %xor3A_11 : i32 to vector<984x128xi32>
    %add3A_227 = arith.addi %add3A_217, %add3A_226 : vector<984x128xi32>
    %add3A_228 = arith.constant 0 : i32
    %add3A_229 = vector.broadcast %add3A_228 : i32 to vector<984x128xi32>
    %add3A_230 = arith.addi %xor3A_225, %add3A_229 : vector<984x128xi32>
    %add3A_231 = arith.constant 5 : i32
    %add3A_232 = vector.broadcast %add3A_231 : i32 to vector<984x128xi32>
    %add3A_233 = arith.addi %add3A_230, %add3A_232 : vector<984x128xi32>
    %xor3A_234 = arith.xori %add3A_227, %add3A_233 : vector<984x128xi32>
    %shift_right_logical3A_235 = arith.constant 9 : i32
    %shift_right_logical3A_236 = vector.broadcast %shift_right_logical3A_235 : i32 to vector<984x128xi32>
    %shift_right_logical3A_237 = arith.shrui %xor3A_234, %shift_right_logical3A_236 : vector<984x128xi32>
    %or3A_238 = arith.constant 1065353216 : i32
    %or3A_239 = vector.broadcast %or3A_238 : i32 to vector<984x128xi32>
    %or3A_240 = arith.ori %shift_right_logical3A_237, %or3A_239 : vector<984x128xi32>
    %bitcast_convert_type3A = tpu.bitcast %or3A_240 : vector<984x128xi32> -> vector<984x128xf32>
    %sub3A = arith.constant 1.000000e+00 : f32
    %sub3A_241 = vector.broadcast %sub3A : f32 to vector<984x128xf32>
    %sub3A_242 = arith.subf %bitcast_convert_type3A, %sub3A_241 : vector<984x128xf32>
    %lt3A = arith.cmpf olt, %sub3A_242, %reshape3A : vector<984x128xf32>
    %jit3A = arith.constant 1.000000e+00 : f32
    %jit3A_243 = arith.constant 0.000000e+00 : f32
    %broadcast_in_dim3A_244 = vector.broadcast %jit3A : f32 to vector<984x128xf32>
    %broadcast_in_dim3A_245 = vector.broadcast %jit3A_243 : f32 to vector<984x128xf32>
    %select_n3A = arith.select %lt3A, %broadcast_in_dim3A_244, %broadcast_in_dim3A_245 : vector<984x128xi1>, vector<984x128xf32>
    %reshape3A_246 = vector.shape_cast %select_n3A : vector<984x128xf32> to vector<125952xf32>
    %swap3A = arith.constant 0 : index
    %swap3A_247 = vector.load %arg2[%swap3A] : memref<125952xf32, #tpu.memory_space<vmem>>, vector<125952xf32>
    tpu.vector_store %arg2[%swap3A], %reshape3A_246 {strides = array<i32>} : memref<125952xf32, #tpu.memory_space<vmem>>, vector<125952xf32>,
    return
  }
  func.func @transform_0(%arg0: i32) -> i32 {
    %c0_i32 = arith.constant 0 : i32
    return %arg0 : i32
  }
  func.func @transform_1(%arg0: i32) -> i32 {
    %c0_i32 = arith.constant 0 : i32
    return %arg0 : i32
  }
}

</mosaic_0001>

<sc_bundles>
// kernel: kernel.4.cloned.1.call-start
scs
__scs_entry_jumppad:
0x0: {  	(pc) =	sbr.rel $0x88, $3  }
0x1: {  	(tag) =	ssettag $0x0;
	lr =	simm.s32 $0x1  }
0x2: {  	[smem:$0x3FA0] =	sst lr;
	_ =	strace $0xD0000000  }
0x3: {  	_ = 	snop  }
0x4: {  	_ = 	snop  }
0x5: {  	_ = 	snop  }
0x6: {  	_ = 	snop  }
0x7: {  	_ = 	snop  }
__scs_overlays_trampoline_lowered:
0x8: {  	[smem:$0x3FAF] =	sst s0  }
0x9: {  	[smem:$0x3FB0] =	sst s1  }
0xa: {  	[smem:$0x3FB1] =	sst s2  }
0xb: {  	[smem:$0x3FB2] =	sst s3  }
0xc: {  	[smem:$0x3FB3] =	sst s4  }
0xd: {  	[smem:$0x3FB4] =	sst s5  }
0xe: {  	[smem:$0x3FB5] =	sst s6  }
0xf: {  	[smem:$0x3FB6] =	sst s7  }
0x10: {  	[smem:$0x3FB7] =	sst s8  }
0x11: {  	[smem:$0x3FB8] =	sst s9;
	s0 =	simm.s32 @!p0 $0x0  }
0x12: {  	s1 =	sld [smem:$0x3F9E];
	s0 =	simm.s32 @p0 $0x1  }
0x13: {  	[smem:$0x3FB9] =	sst s0;
	s0 =	simm.s32 @!p1 $0x0  }
0x14: {  	s2 =	sld [smem:$0x3F9D];
	s0 =	simm.s32 @p1 $0x1  }
0x15: {  	[smem:$0x3FBA] =	sst s0;
	s0 =	simm.s32 @!p2 $0x0  }
0x16: {  	s3 =	sld [smem:$0x3FDB];
	s0 =	simm.s32 @p2 $0x1  }
0x17: {  	s4 =	simm.s32 $0x1BF5;
	[smem:$0x3FBC] =	sst s0  }
0x18: {  	s0 =	sld [smem:$0x3F9F];
	_ =	swait.ge [sflag:s4], $0x0  }
0x19: {  	s7 =	sld [smem:$0x3FA0]  }
0x1a: {  	s8 =	sadd.s32 $0xFFFFE003, lr  }
0x1b: {  	s9 =	sadd.s32 $0xFFFFFEF7, lr;
	s5 =	simm.s32 $0xFFFFFFFF;
	p2 =	slt.u32 s8, $0xFFFFF086  }
0x1c: {  	p1 =	slt.u32 s9, $0xF7A;
	s5 =	simm.s32 @!p2 $0x0  }
0x1d: {  	s5 =	simm.s32 @p1 $0x1;
	p0 =	seq.s32 s7, s2  }
0x1e: {  	s7 =	smul.u32 @!p0 $0xF7A, s2;
	p2 =	seq.s32 @!p0 s5, $0x0  }
0x1f: {  	s9 =	smul.u32 $0xF7A, s1;
	s8 =	simm.s32 @!p0 $0x1BF5;
	p2 =	por !p2, p0  }
0x20: {  	[sflag:s8] =	ssyncset.s32 @!p0 $0xFFFFF086;
	s6 =	sadd.s32 @!p0 s3, s7;
	s7 =	simm.s32 @!p0 $0x108  }
0x21: {  	s3 =	sadd.s32 s3, s9;
	s6 =	sadd.s32 @!p0 $0x88, s6;
	s7 =	simm.s32 @p2 $0x1082  }
0x22: {  	[simem:s7], [sflag:s8] =	dma.local @!p0 [hbm:s6], $0xF7A  }
0x23: {  	s9 =	sor.u32 $0xD0000000, s2;
	s6 =	simm.s32 $0x108;
	_ =	swait.ge @!p0 [sflag:s8], $0x0  }
0x24: {  	s3 =	sadd.s32 $0x88, s3;
	s6 =	simm.s32 @!p1 $0x1082;
	[sflag:s4] =	ssyncset.s32 $0xFFFFF086  }
0x25: {  	[simem:s6], [sflag:s4] =	dma.local [hbm:s3], $0xF7A  }
0x26: {  	[smem:$0x3FA0] =	sst s1;
	(tag) =	ssettag s2;
	_ =	strace s9  }
0x27: {  	s1 =	sld [smem:$0x3FB0]  }
0x28: {  	s2 =	sld [smem:$0x3FB1]  }
0x29: {  	s4 =	sld [smem:$0x3FB3]  }
0x2a: {  	p0 =	seq.s32 s5, $0x0;
	s5 =	sld [smem:$0x3FB4]  }
0x2b: {  	s6 =	sld [smem:$0x3FB5]  }
0x2c: {  	s7 =	sld [smem:$0x3FB6]  }
0x2d: {  	s3 =	simm.s32 $0x108;
	s8 =	sld [smem:$0x3FB7]  }
0x2e: {  	s3 =	simm.s32 @!p0 $0x1082;
	s9 =	sld [smem:$0x3FB8]  }
0x2f: {  	lr =	sadd.s32 s0, s3;
	s0 =	sld [smem:$0x3FAF]  }
0x30: {  	s3 =	sld [smem:$0x3FB2]  }
0x31: {  	[smem:$0x3FBB] =	sst s10  }
0x32: {  	s10 =	sld [smem:$0x3FB9];
	_ =	sdelay $0x3  }
0x33: {  	p0 =	seq.s32 s10, $0x1;
	s10 =	sld [smem:$0x3FBB];
	_ =	sdelay $0x3  }
0x34: {  	[smem:$0x3FBB] =	sst s10  }
0x35: {  	s10 =	sld [smem:$0x3FBA];
	_ =	sdelay $0x3  }
0x36: {  	p1 =	seq.s32 s10, $0x1;
	s10 =	sld [smem:$0x3FBB];
	_ =	sdelay $0x3  }
0x37: {  	[smem:$0x3FBB] =	sst s10  }
0x38: {  	s10 =	sld [smem:$0x3FBC]  }
0x39: {  	_ = 	snop;
	(pc) =	sbr.ind lr, $3  }
0x3a: {  	_ = 	snop  }
0x3b: {  	_ = 	snop  }
0x3c: {  	p2 =	seq.s32 s10, $0x1;
	s10 =	sld [smem:$0x3FBB]  }
0x3d: {  	_ =	shalt  }
0x3e: {  	_ =	shalt  }
0x3f: {  	_ =	shalt  }
0x40: {  	_ =	shalt  }
0x41: {  	_ =	shalt  }
0x42: {  	_ =	shalt  }
0x43: {  	_ =	shalt  }
0x44: {  	_ =	shalt  }
0x45: {  	_ =	shalt  }
0x46: {  	_ =	shalt  }
0x47: {  	_ =	shalt  }
0x48: {  	_ =	shalt  }
0x49: {  	_ =	shalt  }
0x4a: {  	_ =	shalt  }
0x4b: {  	_ =	shalt  }
0x4c: {  	_ =	shalt  }
0x4d: {  	_ =	shalt  }
0x4e: {  	_ =	shalt  }
0x4f: {  	_ =	shalt  }
0x50: {  	_ =	shalt  }
0x51: {  	_ =	shalt  }
0x52: {  	_ =	shalt  }
0x53: {  	_ =	shalt  }
0x54: {  	_ =	shalt  }
0x55: {  	_ =	shalt  }
0x56: {  	_ =	shalt  }
0x57: {  	_ =	shalt  }
0x58: {  	_ =	shalt  }
0x59: {  	_ =	shalt  }
0x5a: {  	_ =	shalt  }
0x5b: {  	_ =	shalt  }
0x5c: {  	_ =	shalt  }
0x5d: {  	_ =	shalt  }
0x5e: {  	_ =	shalt  }
0x5f: {  	_ =	shalt  }
0x60: {  	_ =	shalt  }
0x61: {  	_ =	shalt  }
0x62: {  	_ =	shalt  }
0x63: {  	_ =	shalt  }
0x64: {  	_ =	shalt  }
0x65: {  	_ =	shalt  }
0x66: {  	_ =	shalt  }
0x67: {  	_ =	shalt  }
0x68: {  	_ =	shalt  }
0x69: {  	_ =	shalt  }
0x6a: {  	_ =	shalt  }
0x6b: {  	_ =	shalt  }
0x6c: {  	_ =	shalt  }
0x6d: {  	_ =	shalt  }
0x6e: {  	_ =	shalt  }
0x6f: {  	_ =	shalt  }
0x70: {  	_ =	shalt  }
0x71: {  	_ =	shalt  }
0x72: {  	_ =	shalt  }
0x73: {  	_ =	shalt  }
0x74: {  	_ =	shalt  }
0x75: {  	_ =	shalt  }
0x76: {  	_ =	shalt  }
0x77: {  	_ =	shalt  }
0x78: {  	_ =	shalt  }
0x79: {  	_ =	shalt  }
0x7a: {  	_ =	shalt  }
0x7b: {  	_ =	shalt  }
0x7c: {  	_ =	shalt  }
0x7d: {  	_ =	shalt  }
0x7e: {  	_ =	shalt  }
0x7f: {  	_ =	shalt  }
0x80: {  	_ =	shalt  }
0x81: {  	_ =	shalt  }
0x82: {  	_ =	shalt  }
0x83: {  	_ =	shalt  }
0x84: {  	_ =	shalt  }
0x85: {  	_ =	shalt  }
0x86: {  	_ =	shalt  }
0x87: {  	_ =	shalt  }
.Lfunc_end0:
.L_simem_size_0:
called_computation_lowered:
.L_overlay_start_0:
0x88: {  	s2 =	sld [smem:$0x3FD9]  }
0x89: {  	s3 =	sld [smem:$0x3FFE];
	_ =	sdelay $0x1  }
0x8a: {  	s1 =	srdreg.scid  }
0x8b: {  	s0 =	sand.u32 $0x1, s1  }
0x8c: {  	s17 =	sshll.u32 s0, $0xA;
	s2 =	sadd.s32 s3, s2  }
0x8d: {  	s2 =	sadd.s32 s2, s17  }
0x8e: {  	[smem:$0x3FC7] =	sst s2  }
0x8f: {  	_ = 	snop  }
0x90: {  	s2 =	sld [smem:$0x3FC9];
	(tm) =	ssettm $0x1  }
0x91: {  	s18 =	sld [smem:$0x3FFB];
	_ =	sdelay $0x3  }
0x92: {  	_ =	strace s18  }
0x93: {  	s3 =	sld [smem:$0x3FFC];
	_ =	sdelay $0x3  }
0x94: {  	_ =	strace s3  }
0x95: {  	s3 =	sld [smem:$0x3FFD];
	_ =	sdelay $0x3  }
0x96: {  	_ =	strace s3  }
0x97: {  	_ =	strace $0x8FFFFFFF  }
0x98: {  	s19 =	sld [smem:$0x3FDB];
	_ =	sdelay $0x1  }
0x99: {  	s4 =	simm.s32 $_scs_section_size  }
0x9a: {  	s5 =	simm.s32 $_size__tile_overlayer_lowered;
	s6 =	simm.s32 $_tile_overlayer_lowered  }
0x9b: {  	s22 =	simm.s32 $0x1BFF;
	s21 =	sshll.u32 s6, $0x1;
	s3 =	sadd.s32 s4, s19  }
0x9c: {  	s7 =	simm.s32 $0x0;
	s20 =	sshll.u32 s5, $0x1;
	s5 =	sadd.s32 s21, s3  }
0x9d: {  	[timem:s7], [sflag:s22] =	dma.local [hbm:s5], s20  }
0x9e: {  	_ =	swait.ge [sflag:s22], s20  }
0x9f: {  	s4 =	ssub.s32 $0x0, s20;
	[sflag:s22] =	ssyncset.done $0x0  }
0xa0: {  	[sflag:s22] =	ssyncadd.s32 s4;
	_ =	sdelay $0x1  }
0xa1: {  	s23 =	simm.s32 $0x1B8B  }
0xa2: {  	_ =	swait.ge [sflag:s23], $0x1  }
0xa3: {  	[sflag:s23] =	ssyncset.done $0x0  }
0xa4: {  	s25 =	simm.s32 $0x1B8E;
	s24 =	sld [smem:$0x3FFE];
	[sflag:s23] =	ssyncadd.s32 $0xFFFFFFFF  }
0xa5: {  	s26 =	simm.s32 $execute0_lowered;
	[smem:$0x3FD2] =	sst s25  }
0xa6: {  	s5 =	sshll.u32 s26, $0x1;
	_ =	strace $0x80000046;
	[dreg:$0x1] =	wrdreg $0xFFFFFFFF  }
0xa7: {  	s28 =	simm.s32 $_size_execute0_lowered;
	s3 =	sadd.s32 s3, s5;
	[dreg:$0x0] =	wrdreg $0x0  }
0xa8: {  	s5 =	sshll.u32 s28, $0x1;
	[dreg:$0x2] =	wrdreg s3  }
0xa9: {  	[dreg:$0x3] =	wrdreg s5  }
0xaa: {  	[dreg:$0x4] =	wrdreg $0xC0  }
0xab: {  	_ =	task [dreg:s7], $0x5FFFF  }
0xac: {  	[dreg:$0x1] =	wrdreg $0xFFFFFFFF  }
0xad: {  	[dreg:$0x0] =	wrdreg $0x60  }
0xae: {  	[dreg:$0x2] =	wrdreg s2  }
0xaf: {  	[dreg:$0x3] =	wrdreg s24  }
0xb0: {  	[dreg:$0x4] =	wrdreg $0x9  }
0xb1: {  	_ =	task.clear_ibuf [dreg:s7], $0x5FFFF;
	_ =	strace $0x90000046  }
0xb2: {  	s29 =	simm.s32 $0x9;
	_ =	strace $0x80000048  }
0xb3: {  	_ =	swait.ge [sflag:s29], $0x1  }
0xb4: {  	[sflag:s29] =	ssyncadd.s32 $0xFFFFFFFF  }
0xb5: {  	_ =	strace $0x90000048  }
0xb6: {  	_ =	sfence  }
0xb7: {  	s30 =	sld [smem:$0x0];
	_ =	sdelay $0x2  }
0xb8: {  	s31 =	sshll.u32 s1, $0xD;
	s1 =	sshrl.u32 s1, $0x2  }
0xb9: {  	s3 =	sand.u32 $0x4000, s31;
	s1 =	sadd.s32 s1, s30  }
0xba: {  	s0 =	sor.u32 s3, s0;
	s1 =	sshll.u32 s1, $0x11  }
0xbb: {  	s0 =	sor.u32 s1, s0  }
0xbc: {  	s0 =	sadd.s32 $0x8F2B, s0  }
0xbd: {  	[sflag:s0] =	ssyncadd.remote.s32 $0x1  }
0xbe: {  	_ =	sfence.sel $0xFFFF  }
0xbf: {  	[dreg:$0x0] =	wrdreg $0xFFFFFFFF;
	(pc) =	sbr.abs _section_cstart, $3  }
0xc0: {  	[dreg:$0x1] =	wrdreg $0xFFFFFFFF  }
0xc1: {  	_ =	task.clear_ibuf [dreg:s7], $0x2FFFF;
	_ =	strace $0x9FFFFFFF  }
0xc2: {  	(tm) =	ssettm $0x7FFFFFFF  }
0xc3: {  	_ =	shalt  }
tec
execute0_lowered:
.L_overlay_start_1:
0x0: {  	(tag) =	ssettag $0x1  }
0x1: {  	s4 =	rddreg [dreg:$0x0]  }
0x2: {  	s5 =	rddreg [dreg:$0x1];
	s2 =	srdreg.scid  }
0x3: {  	s0 =	rddreg [dreg:$0x2];
	s1 =	stileid.u32;
	s9 =	simm.s32 $0x0  }
0x4: {  	s6 =	sand.u32 $0x1, s2;
	s2 =	simm.s32 $0x0;
	s3 =	sshll.u32 s1, $0xC  }
0x5: {  	s7 =	sshll.u32 s6, $0xB;
	[smem:$0x7FF] =	sst s2;
	s6 =	ssub.s32 $0x2, s6  }
0x6: {  	s3 =	sor.u32 s7, s3;
	_ =	strace $0x80000047;
	s8 =	sshrl.u32 s6, $0x1  }
0x7: {  	s7 =	sshrl.u32 s3, $0x3;
	s6 =	ssub.s32 s6, s8;
	s8 =	simm.s32 $0x800  }
0x8: {  	v0 =	vlaneseq.u32;
	s5 =	sadd.s32 s7, s5;
	s4 =	sadd.s32 s4, s7;
	s6 =	smax.u32 s6, $0x1  }
0x9: {  	v1 =	vimm.f32 $0.0e+00;
	v0 =	vadd.s32 $0x1, v0;
	s7 =	simm.s32 $0x1;
	s4 =	sadd.s32 $0x1C848, s4;
	s5 =	sadd.s32 $0x600, s5  }
.LBB2_1:
0xa: {  	s10 =	sadd.s32 $0x0, s3  }
0xb: {  	s11 =	sadd.s32 $0xE4270, s10;
	s12 =	sadd.s32 $0xE4260, s10  }
0xc: {  	s26 =	sadd.s32 $0xE4250, s10;
	s10 =	sadd.s32 $0xE4240, s10;
	v2 =	vadd.s32 s11, v0;
	v3 =	vmov s12  }
0xd: {  	v4 =	vor.u32 s12, v0;
	v5 =	vadd.s32 s26, v0;
	v6 =	vmov s10  }
0xe: {  	v7 =	vor.u32 s10, v0;
	v8 =	vshrl.u32 v2, $0x13;
	v3 =	vshrl.u32 v3, $0x13  }
0xf: {  	v9 =	vshll.u32 v2, $0xD;
	v10 =	vshrl.u32 v5, $0x13;
	v11 =	vshll.u32 v4, $0xD  }
0x10: {  	v6 =	vshrl.u32 v6, $0x13;
	v12 =	vshll.u32 v5, $0xD;
	v13 =	vshll.u32 v7, $0xD  }
0x11: {  	v3 =	vor.u32 v3, v11;
	v8 =	vor.u32 v8, v9;
	v6 =	vor.u32 v6, v13  }
0x12: {  	v9 =	vor.u32 v10, v12;
	v3 =	vxor.u32 v4, v3;
	v8 =	vxor.u32 v2, v8  }
0x13: {  	v6 =	vxor.u32 v7, v6;
	v9 =	vxor.u32 v5, v9;
	v2 =	vadd.s32 v2, v8  }
0x14: {  	v4 =	vadd.s32 v4, v3;
	v10 =	vshrl.u32 v8, $0x11;
	v8 =	vshll.u32 v8, $0xF  }
0x15: {  	v5 =	vadd.s32 v5, v9;
	v11 =	vshrl.u32 v3, $0x11;
	v3 =	vshll.u32 v3, $0xF  }
0x16: {  	v7 =	vadd.s32 v7, v6;
	v12 =	vshrl.u32 v9, $0x11;
	v9 =	vshll.u32 v9, $0xF  }
0x17: {  	v13 =	vshrl.u32 v6, $0x11;
	v6 =	vshll.u32 v6, $0xF;
	v8 =	vor.u32 v10, v8  }
0x18: {  	v6 =	vor.u32 v13, v6;
	v9 =	vor.u32 v12, v9;
	v3 =	vor.u32 v11, v3  }
0x19: {  	v9 =	vxor.u32 v5, v9;
	v3 =	vxor.u32 v4, v3;
	v8 =	vxor.u32 v2, v8  }
0x1a: {  	v6 =	vxor.u32 v7, v6;
	v2 =	vadd.s32 v2, v8;
	v10 =	vshrl.u32 v8, $0x6  }
0x1b: {  	v4 =	vadd.s32 v4, v3;
	v11 =	vshrl.u32 v3, $0x6;
	v8 =	vshll.u32 v8, $0x1A  }
0x1c: {  	v5 =	vadd.s32 v5, v9;
	v12 =	vshrl.u32 v9, $0x6;
	v3 =	vshll.u32 v3, $0x1A  }
0x1d: {  	v7 =	vadd.s32 v7, v6;
	v13 =	vshrl.u32 v6, $0x6;
	v9 =	vshll.u32 v9, $0x1A  }
0x1e: {  	v6 =	vshll.u32 v6, $0x1A;
	v3 =	vor.u32 v11, v3;
	v8 =	vor.u32 v10, v8  }
0x1f: {  	v6 =	vor.u32 v13, v6;
	v9 =	vor.u32 v12, v9;
	v8 =	vxor.u32 v2, v8  }
0x20: {  	v6 =	vxor.u32 v7, v6;
	v9 =	vxor.u32 v5, v9;
	v3 =	vxor.u32 v4, v3  }
0x21: {  	v2 =	vadd.s32 v2, v8;
	v10 =	vshrl.u32 v8, $0x1A;
	v8 =	vshll.u32 v8, $0x6  }
0x22: {  	v4 =	vadd.s32 v4, v3;
	v11 =	vshrl.u32 v3, $0x1A;
	v3 =	vshll.u32 v3, $0x6  }
0x23: {  	v5 =	vadd.s32 v5, v9;
	v12 =	vshrl.u32 v9, $0x1A;
	v9 =	vshll.u32 v9, $0x6  }
0x24: {  	v7 =	vadd.s32 v7, v6;
	v13 =	vshrl.u32 v6, $0x1A;
	v6 =	vshll.u32 v6, $0x6  }
0x25: {  	v9 =	vor.u32 v12, v9;
	v3 =	vor.u32 v11, v3;
	v8 =	vor.u32 v10, v8  }
0x26: {  	v6 =	vor.u32 v13, v6;
	v3 =	vxor.u32 v4, v3;
	v8 =	vxor.u32 v2, v8  }
0x27: {  	v6 =	vxor.u32 v7, v6;
	v9 =	vxor.u32 v5, v9;
	v8 =	vadd.s32 $0x1BD11BDC, v8  }
0x28: {  	v6 =	vadd.s32 $0x1BD11BDC, v6;
	v9 =	vadd.s32 $0x1BD11BDC, v9;
	v3 =	vadd.s32 $0x1BD11BDC, v3  }
0x29: {  	v2 =	vadd.s32 v8, v2;
	v10 =	vshrl.u32 v8, $0xF;
	v8 =	vshll.u32 v8, $0x11  }
0x2a: {  	v4 =	vadd.s32 v3, v4;
	v11 =	vshrl.u32 v3, $0xF;
	v3 =	vshll.u32 v3, $0x11  }
0x2b: {  	v5 =	vadd.s32 v9, v5;
	v12 =	vshrl.u32 v9, $0xF;
	v9 =	vshll.u32 v9, $0x11  }
0x2c: {  	v7 =	vadd.s32 v6, v7;
	v13 =	vshrl.u32 v6, $0xF;
	v6 =	vshll.u32 v6, $0x11  }
0x2d: {  	v4 =	vadd.s32 $0x1, v4;
	v2 =	vadd.s32 $0x1, v2;
	v8 =	vor.u32 v10, v8  }
0x2e: {  	v5 =	vadd.s32 $0x1, v5;
	v9 =	vor.u32 v12, v9;
	v3 =	vor.u32 v11, v3  }
0x2f: {  	v7 =	vadd.s32 $0x1, v7;
	v6 =	vor.u32 v13, v6;
	v8 =	vxor.u32 v2, v8  }
0x30: {  	v6 =	vxor.u32 v7, v6;
	v9 =	vxor.u32 v5, v9;
	v3 =	vxor.u32 v4, v3  }
0x31: {  	v2 =	vadd.s32 v2, v8;
	v10 =	vshrl.u32 v8, $0x3;
	v8 =	vshll.u32 v8, $0x1D  }
0x32: {  	v4 =	vadd.s32 v4, v3;
	v11 =	vshrl.u32 v3, $0x3;
	v3 =	vshll.u32 v3, $0x1D  }
0x33: {  	v5 =	vadd.s32 v5, v9;
	v12 =	vshrl.u32 v9, $0x3;
	v9 =	vshll.u32 v9, $0x1D  }
0x34: {  	v7 =	vadd.s32 v7, v6;
	v13 =	vshrl.u32 v6, $0x3;
	v6 =	vshll.u32 v6, $0x1D  }
0x35: {  	v9 =	vor.u32 v12, v9;
	v3 =	vor.u32 v11, v3;
	v8 =	vor.u32 v10, v8  }
0x36: {  	v6 =	vor.u32 v13, v6;
	v3 =	vxor.u32 v4, v3;
	v8 =	vxor.u32 v2, v8  }
0x37: {  	v6 =	vxor.u32 v7, v6;
	v9 =	vxor.u32 v5, v9;
	v2 =	vadd.s32 v2, v8  }
0x38: {  	v4 =	vadd.s32 v4, v3;
	v10 =	vshrl.u32 v8, $0x10;
	v8 =	vshll.u32 v8, $0x10  }
0x39: {  	v5 =	vadd.s32 v5, v9;
	v11 =	vshrl.u32 v3, $0x10;
	v3 =	vshll.u32 v3, $0x10  }
0x3a: {  	v7 =	vadd.s32 v7, v6;
	v12 =	vshrl.u32 v9, $0x10;
	v9 =	vshll.u32 v9, $0x10  }
0x3b: {  	v13 =	vshrl.u32 v6, $0x10;
	v6 =	vshll.u32 v6, $0x10;
	v8 =	vor.u32 v10, v8  }
0x3c: {  	v6 =	vor.u32 v13, v6;
	v9 =	vor.u32 v12, v9;
	v3 =	vor.u32 v11, v3  }
0x3d: {  	v9 =	vxor.u32 v5, v9;
	v3 =	vxor.u32 v4, v3;
	v8 =	vxor.u32 v2, v8  }
0x3e: {  	v6 =	vxor.u32 v7, v6;
	v2 =	vadd.s32 v2, v8;
	v10 =	vshrl.u32 v8, $0x8  }
0x3f: {  	v4 =	vadd.s32 v4, v3;
	v11 =	vshrl.u32 v3, $0x8;
	v8 =	vshll.u32 v8, $0x18  }
0x40: {  	v5 =	vadd.s32 v5, v9;
	v12 =	vshrl.u32 v9, $0x8;
	v3 =	vshll.u32 v3, $0x18  }
0x41: {  	v7 =	vadd.s32 v7, v6;
	v13 =	vshrl.u32 v6, $0x8;
	v9 =	vshll.u32 v9, $0x18  }
0x42: {  	v6 =	vshll.u32 v6, $0x18;
	v3 =	vor.u32 v11, v3;
	v8 =	vor.u32 v10, v8  }
0x43: {  	v6 =	vor.u32 v13, v6;
	v9 =	vor.u32 v12, v9;
	v8 =	vxor.u32 v2, v8  }
0x44: {  	v6 =	vxor.u32 v7, v6;
	v9 =	vxor.u32 v5, v9;
	v3 =	vxor.u32 v4, v3  }
0x45: {  	v9 =	vadd.s32 $0x2, v9;
	v3 =	vadd.s32 $0x2, v3;
	v8 =	vadd.s32 $0x2, v8  }
0x46: {  	v6 =	vadd.s32 $0x2, v6;
	v2 =	vadd.s32 v8, v2;
	v10 =	vshrl.u32 v8, $0x13  }
0x47: {  	v4 =	vadd.s32 v3, v4;
	v11 =	vshrl.u32 v3, $0x13;
	v8 =	vshll.u32 v8, $0xD  }
0x48: {  	v5 =	vadd.s32 v9, v5;
	v12 =	vshrl.u32 v9, $0x13;
	v3 =	vshll.u32 v3, $0xD  }
0x49: {  	v7 =	vadd.s32 v6, v7;
	v13 =	vshrl.u32 v6, $0x13;
	v9 =	vshll.u32 v9, $0xD  }
0x4a: {  	v6 =	vshll.u32 v6, $0xD;
	v2 =	vadd.s32 $0x1BD11BDB, v2;
	v8 =	vor.u32 v10, v8  }
0x4b: {  	v5 =	vadd.s32 $0x1BD11BDB, v5;
	v4 =	vadd.s32 $0x1BD11BDB, v4;
	v3 =	vor.u32 v11, v3  }
0x4c: {  	v7 =	vadd.s32 $0x1BD11BDB, v7;
	v6 =	vor.u32 v13, v6;
	v9 =	vor.u32 v12, v9  }
0x4d: {  	v9 =	vxor.u32 v5, v9;
	v3 =	vxor.u32 v4, v3;
	v8 =	vxor.u32 v2, v8  }
0x4e: {  	v6 =	vxor.u32 v7, v6;
	v2 =	vadd.s32 v2, v8;
	v10 =	vshrl.u32 v8, $0x11  }
0x4f: {  	v4 =	vadd.s32 v4, v3;
	v11 =	vshrl.u32 v3, $0x11;
	v8 =	vshll.u32 v8, $0xF  }
0x50: {  	v5 =	vadd.s32 v5, v9;
	v12 =	vshrl.u32 v9, $0x11;
	v3 =	vshll.u32 v3, $0xF  }
0x51: {  	v7 =	vadd.s32 v7, v6;
	v13 =	vshrl.u32 v6, $0x11;
	v9 =	vshll.u32 v9, $0xF  }
0x52: {  	v6 =	vshll.u32 v6, $0xF;
	v3 =	vor.u32 v11, v3;
	v8 =	vor.u32 v10, v8  }
0x53: {  	v6 =	vor.u32 v13, v6;
	v9 =	vor.u32 v12, v9;
	v8 =	vxor.u32 v2, v8  }
0x54: {  	v6 =	vxor.u32 v7, v6;
	v9 =	vxor.u32 v5, v9;
	v3 =	vxor.u32 v4, v3  }
0x55: {  	v2 =	vadd.s32 v2, v8;
	v10 =	vshrl.u32 v8, $0x6;
	v8 =	vshll.u32 v8, $0x1A  }
0x56: {  	v4 =	vadd.s32 v4, v3;
	v11 =	vshrl.u32 v3, $0x6;
	v3 =	vshll.u32 v3, $0x1A  }
0x57: {  	v5 =	vadd.s32 v5, v9;
	v12 =	vshrl.u32 v9, $0x6;
	v9 =	vshll.u32 v9, $0x1A  }
0x58: {  	v7 =	vadd.s32 v7, v6;
	v13 =	vshrl.u32 v6, $0x6;
	v6 =	vshll.u32 v6, $0x1A  }
0x59: {  	v9 =	vor.u32 v12, v9;
	v3 =	vor.u32 v11, v3;
	v8 =	vor.u32 v10, v8  }
0x5a: {  	v6 =	vor.u32 v13, v6;
	v3 =	vxor.u32 v4, v3;
	v8 =	vxor.u32 v2, v8  }
0x5b: {  	v6 =	vxor.u32 v7, v6;
	v9 =	vxor.u32 v5, v9;
	v2 =	vadd.s32 v2, v8  }
0x5c: {  	v4 =	vadd.s32 v4, v3;
	v10 =	vshrl.u32 v8, $0x1A;
	v8 =	vshll.u32 v8, $0x6  }
0x5d: {  	v5 =	vadd.s32 v5, v9;
	v11 =	vshrl.u32 v3, $0x1A;
	v3 =	vshll.u32 v3, $0x6  }
0x5e: {  	v7 =	vadd.s32 v7, v6;
	v12 =	vshrl.u32 v9, $0x1A;
	v9 =	vshll.u32 v9, $0x6  }
0x5f: {  	v13 =	vshrl.u32 v6, $0x1A;
	v6 =	vshll.u32 v6, $0x6;
	v8 =	vor.u32 v10, v8  }
0x60: {  	v6 =	vor.u32 v13, v6;
	v9 =	vor.u32 v12, v9;
	v3 =	vor.u32 v11, v3  }
0x61: {  	v9 =	vxor.u32 v5, v9;
	v3 =	vxor.u32 v4, v3;
	v8 =	vxor.u32 v2, v8  }
0x62: {  	v6 =	vxor.u32 v7, v6;
	v3 =	vadd.s32 $0x4, v3;
	v8 =	vadd.s32 $0x4, v8  }
0x63: {  	v6 =	vadd.s32 $0x4, v6;
	v9 =	vadd.s32 $0x4, v9;
	v2 =	vadd.s32 v2, v8  }
0x64: {  	v4 =	vadd.s32 v4, v3;
	v10 =	vshrl.u32 v8, $0xF;
	v8 =	vshll.u32 v8, $0x11  }
0x65: {  	v5 =	vadd.s32 v5, v9;
	v11 =	vshrl.u32 v3, $0xF;
	v3 =	vshll.u32 v3, $0x11  }
0x66: {  	v7 =	vadd.s32 v7, v6;
	v12 =	vshrl.u32 v9, $0xF;
	v9 =	vshll.u32 v9, $0x11  }
0x67: {  	v13 =	vshrl.u32 v6, $0xF;
	v6 =	vshll.u32 v6, $0x11;
	v8 =	vor.u32 v10, v8  }
0x68: {  	v6 =	vor.u32 v13, v6;
	v9 =	vor.u32 v12, v9;
	v3 =	vor.u32 v11, v3  }
0x69: {  	v9 =	vxor.u32 v5, v9;
	v3 =	vxor.u32 v4, v3;
	v8 =	vxor.u32 v2, v8  }
0x6a: {  	v6 =	vxor.u32 v7, v6;
	v2 =	vadd.s32 v2, v8;
	v10 =	vshrl.u32 v8, $0x3  }
0x6b: {  	v4 =	vadd.s32 v4, v3;
	v11 =	vshrl.u32 v3, $0x3;
	v8 =	vshll.u32 v8, $0x1D  }
0x6c: {  	v5 =	vadd.s32 v5, v9;
	v12 =	vshrl.u32 v9, $0x3;
	v3 =	vshll.u32 v3, $0x1D  }
0x6d: {  	v7 =	vadd.s32 v7, v6;
	v13 =	vshrl.u32 v6, $0x3;
	v9 =	vshll.u32 v9, $0x1D  }
0x6e: {  	v6 =	vshll.u32 v6, $0x1D;
	v3 =	vor.u32 v11, v3;
	v8 =	vor.u32 v10, v8  }
0x6f: {  	v6 =	vor.u32 v13, v6;
	v9 =	vor.u32 v12, v9;
	v8 =	vxor.u32 v2, v8  }
0x70: {  	v6 =	vxor.u32 v7, v6;
	v9 =	vxor.u32 v5, v9;
	v3 =	vxor.u32 v4, v3  }
0x71: {  	v2 =	vadd.s32 v2, v8;
	v10 =	vshrl.u32 v8, $0x10;
	v8 =	vshll.u32 v8, $0x10  }
0x72: {  	v4 =	vadd.s32 v4, v3;
	v11 =	vshrl.u32 v3, $0x10;
	v3 =	vshll.u32 v3, $0x10  }
0x73: {  	v5 =	vadd.s32 v5, v9;
	v12 =	vshrl.u32 v9, $0x10;
	v9 =	vshll.u32 v9, $0x10  }
0x74: {  	v7 =	vadd.s32 v7, v6;
	v13 =	vshrl.u32 v6, $0x10;
	v6 =	vshll.u32 v6, $0x10  }
0x75: {  	v9 =	vor.u32 v12, v9;
	v3 =	vor.u32 v11, v3;
	v8 =	vor.u32 v10, v8  }
0x76: {  	v6 =	vor.u32 v13, v6;
	v3 =	vxor.u32 v4, v3;
	v8 =	vxor.u32 v2, v8  }
0x77: {  	v6 =	vxor.u32 v7, v6;
	v9 =	vxor.u32 v5, v9;
	v2 =	vadd.s32 v2, v8  }
0x78: {  	v4 =	vadd.s32 v4, v3;
	v10 =	vshrl.u32 v8, $0x8;
	v8 =	vshll.u32 v8, $0x18  }
0x79: {  	v5 =	vadd.s32 v5, v9;
	v11 =	vshrl.u32 v3, $0x8;
	v3 =	vshll.u32 v3, $0x18  }
0x7a: {  	v7 =	vadd.s32 v7, v6;
	v12 =	vshrl.u32 v9, $0x8;
	v9 =	vshll.u32 v9, $0x18  }
0x7b: {  	v13 =	vshrl.u32 v6, $0x8;
	v6 =	vshll.u32 v6, $0x18;
	v8 =	vor.u32 v10, v8  }
0x7c: {  	v6 =	vor.u32 v13, v6;
	v9 =	vor.u32 v12, v9;
	v3 =	vor.u32 v11, v3  }
0x7d: {  	v9 =	vxor.u32 v5, v9;
	v3 =	vxor.u32 v4, v3;
	v8 =	vxor.u32 v2, v8  }
0x7e: {  	v6 =	vxor.u32 v7, v6;
	v3 =	vadd.s32 $0x1BD11BDF, v3;
	v8 =	vadd.s32 $0x1BD11BDF, v8  }
0x7f: {  	v6 =	vadd.s32 $0x1BD11BDF, v6;
	v9 =	vadd.s32 $0x1BD11BDF, v9;
	v2 =	vadd.s32 v8, v2  }
0x80: {  	v4 =	vadd.s32 v3, v4;
	v10 =	vshrl.u32 v8, $0x13;
	v8 =	vshll.u32 v8, $0xD  }
0x81: {  	v7 =	vadd.s32 v6, v7;
	v11 =	vshrl.u32 v6, $0x13;
	v6 =	vshll.u32 v6, $0xD  }
0x82: {  	v5 =	vadd.s32 v9, v5;
	v7 =	vadd.s32 $0x1, v7;
	v6 =	vor.u32 v11, v6  }
0x83: {  	v14 =	vshrl.u32 v9, $0x13;
	v9 =	vshll.u32 v9, $0xD;
	v6 =	vxor.u32 v7, v6  }
0x84: {  	v11 =	vshrl.u32 v3, $0x13;
	v12 =	vshrl.u32 v6, $0x11;
	v13 =	vshll.u32 v6, $0xF  }
0x85: {  	v3 =	vshll.u32 v3, $0xD;
	v6 =	vadd.s32 v7, v6;
	v7 =	vor.u32 v12, v13  }
0x86: {  	v8 =	vor.u32 v10, v8;
	v4 =	vadd.s32 $0x1, v4;
	v7 =	vxor.u32 v6, v7  }
0x87: {  	v5 =	vadd.s32 $0x1, v5;
	v10 =	vshrl.u32 v7, $0x6;
	v12 =	vshll.u32 v7, $0x1A  }
0x88: {  	v9 =	vor.u32 v14, v9;
	v6 =	vadd.s32 v6, v7;
	v7 =	vor.u32 v10, v12  }
0x89: {  	v3 =	vor.u32 v11, v3;
	v9 =	vxor.u32 v5, v9;
	v7 =	vxor.u32 v6, v7  }
0x8a: {  	[tilespmem:s2], [sflag:$0x1] =	stream.linear.gather [hbm4b:s4+s2], $0x800, $0x38;
	v5 =	vadd.s32 v5, v9;
	v10 =	vshrl.u32 v7, $0x1A;
	v11 =	vshll.u32 v7, $0x6;
	[tilespmem:$0x1000] =	vst v63  }
0x8b: {  	_ =	swait.ge [sflag:s7], $0x800;
	v3 =	vxor.u32 v4, v3;
	v6 =	vadd.s32 v6, v7;
	v7 =	vor.u32 v10, v11  }
0x8c: {  	[sflag:s7] =	ssyncset.done $0x0;
	v10 =	vshrl.u32 v9, $0x11;
	v9 =	vshll.u32 v9, $0xF;
	v7 =	vxor.u32 v6, v7  }
0x8d: {  	s28 =	simm.s32 $0x20;
	[sflag:s7] =	ssyncadd.s32 $0xFFFFF800;
	v6 =	vadd.s32 $0x1BD11BDB, v6;
	v9 =	vor.u32 v10, v9;
	v7 =	vadd.s32 $0x5, v7  }
0x8e: {  	v4 =	vadd.s32 v4, v3;
	v10 =	vld [tilespmem:s28+$0xFFFFFFE0];
	v6 =	vxor.u32 v6, v7;
	v7 =	vxor.u32 v5, v9  }
0x8f: {  	v6 =	vshrl.u32 v6, $0x9;
	v9 =	vshrl.u32 v7, $0x6;
	v11 =	vshll.u32 v7, $0x1A  }
0x90: {  	v5 =	vadd.s32 v5, v7;
	v6 =	vor.u32 $0x3F800000, v6;
	v7 =	vor.u32 v9, v11  }
0x91: {  	v12 =	vshrl.u32 v3, $0x11;
	v6 =	vadd.f32 $-1.000000000e+00, v6;
	v7 =	vxor.u32 v5, v7  }
0x92: {  	v3 =	vshll.u32 v3, $0xF;
	v9 =	vshrl.u32 v7, $0x1A;
	v11 =	vshll.u32 v7, $0x6  }
0x93: {  	v5 =	vadd.s32 v5, v7;
	vm0 =	vlt.f32 v6, v10;
	v6 =	vor.u32 v9, v11  }
0x94: {  	s10 =	simm.s32 $0x820;
	v3 =	vor.u32 v12, v3;
	v7 =	vsel vm0, $0x3F800000, v1;
	v6 =	vxor.u32 v5, v6  }
0x95: {  	v3 =	vxor.u32 v4, v3;
	v5 =	vadd.s32 $0x1BD11BDB, v5;
	[tilespmem:s10+$0xFFFFFFE0] =	vst v7;
	v6 =	vadd.s32 $0x5, v6  }
0x96: {  	v2 =	vadd.s32 $0x1, v2;
	v9 =	vshll.u32 v3, $0x1A;
	v7 =	vld [tilespmem:s28+$0xFFFFFFF0];
	v5 =	vxor.u32 v5, v6  }
0x97: {  	v6 =	vxor.u32 v2, v8;
	v8 =	vshrl.u32 v3, $0x6;
	v5 =	vshrl.u32 v5, $0x9  }
0x98: {  	v3 =	vadd.s32 v4, v3;
	v4 =	vor.u32 v8, v9;
	v5 =	vor.u32 $0x3F800000, v5  }
0x99: {  	v2 =	vadd.s32 v2, v6;
	v4 =	vxor.u32 v3, v4;
	v5 =	vadd.f32 $-1.000000000e+00, v5  }
0x9a: {  	v10 =	vshrl.u32 v6, $0x11;
	v8 =	vshrl.u32 v4, $0x1A;
	v9 =	vshll.u32 v4, $0x6  }
0x9b: {  	v3 =	vadd.s32 v3, v4;
	v4 =	vor.u32 v8, v9;
	vm13 =	vlt.f32 v5, v7  }
0x9c: {  	s29 =	sadd.s32 $0x40, s3;
	v6 =	vshll.u32 v6, $0xF;
	v4 =	vxor.u32 v3, v4;
	v5 =	vsel vm13, $0x3F800000, v1  }
0x9d: {  	s13 =	sadd.s32 $0xE4270, s29;
	v3 =	vadd.s32 $0x1BD11BDB, v3;
	v4 =	vadd.s32 $0x5, v4;
	[tilespmem:s10+$0xFFFFFFF0] =	vst v5;
	v5 =	vor.u32 v10, v6  }
0x9e: {  	v6 =	vadd.s32 s13, v0;
	v3 =	vxor.u32 v3, v4;
	v4 =	vxor.u32 v2, v5  }
0x9f: {  	v7 =	vld [tilespmem:s28+$0x0];
	v3 =	vshrl.u32 v3, $0x9;
	v5 =	vshrl.u32 v4, $0x6;
	v8 =	vshll.u32 v4, $0x1A  }
0xa0: {  	s30 =	sadd.s32 $0xE4260, s29;
	v3 =	vor.u32 $0x3F800000, v3;
	v2 =	vadd.s32 v2, v4;
	v4 =	vor.u32 v5, v8  }
0xa1: {  	v5 =	vmov s30;
	v8 =	vor.u32 s30, v0;
	v4 =	vxor.u32 v2, v4  }
0xa2: {  	s31 =	sadd.s32 $0xE4250, s29;
	v3 =	vadd.f32 $-1.000000000e+00, v3;
	v13 =	vshll.u32 v8, $0xD;
	v9 =	vshrl.u32 v4, $0x1A  }
0xa3: {  	s12 =	sadd.s32 $0xE4240, s29;
	v10 =	vshll.u32 v4, $0x6;
	v2 =	vadd.s32 v2, v4;
	v4 =	vadd.s32 s31, v0  }
0xa4: {  	vm14 =	vlt.f32 v3, v7;
	v3 =	vor.u32 v9, v10;
	v9 =	vmov s12  }
0xa5: {  	v10 =	vshrl.u32 v6, $0x13;
	v12 =	vshrl.u32 v4, $0x13;
	v14 =	vshll.u32 v4, $0xD  }
0xa6: {  	v7 =	vsel vm14, $0x3F800000, v1;
	v3 =	vxor.u32 v2, v3;
	v2 =	vadd.s32 $0x1BD11BDB, v2  }
0xa7: {  	v9 =	vshrl.u32 v9, $0x13;
	[tilespmem:s10+$0x0] =	vst v7;
	v3 =	vadd.s32 $0x5, v3;
	v7 =	vor.u32 s12, v0  }
0xa8: {  	v2 =	vxor.u32 v2, v3;
	v3 =	vshrl.u32 v5, $0x13;
	v5 =	vshll.u32 v6, $0xD  }
0xa9: {  	v15 =	vshll.u32 v7, $0xD;
	v2 =	vshrl.u32 v2, $0x9;
	v3 =	vor.u32 v3, v13  }
0xaa: {  	v5 =	vor.u32 v10, v5;
	v9 =	vor.u32 v9, v15;
	v10 =	vor.u32 v12, v14  }
0xab: {  	v2 =	vor.u32 $0x3F800000, v2;
	v3 =	vxor.u32 v8, v3;
	v5 =	vxor.u32 v6, v5  }
0xac: {  	v11 =	vld [tilespmem:s28+$0x10];
	v9 =	vxor.u32 v7, v9;
	v10 =	vxor.u32 v4, v10;
	v2 =	vadd.f32 $-1.000000000e+00, v2  }
0xad: {  	v6 =	vadd.s32 v6, v5;
	v8 =	vadd.s32 v8, v3;
	v4 =	vadd.s32 v4, v10  }
0xae: {  	v12 =	vshrl.u32 v3, $0x11;
	v7 =	vadd.s32 v7, v9;
	v13 =	vshrl.u32 v10, $0x11  }
0xaf: {  	v10 =	vshll.u32 v10, $0xF;
	v14 =	vshrl.u32 v9, $0x11;
	v9 =	vshll.u32 v9, $0xF  }
0xb0: {  	v3 =	vshll.u32 v3, $0xF;
	v9 =	vor.u32 v14, v9;
	v10 =	vor.u32 v13, v10  }
0xb1: {  	v3 =	vor.u32 v12, v3;
	vm15 =	vlt.f32 v2, v11;
	v11 =	vshrl.u32 v5, $0x11  }
0xb2: {  	v5 =	vshll.u32 v5, $0xF;
	v10 =	vxor.u32 v4, v10;
	v3 =	vxor.u32 v8, v3  }
0xb3: {  	v9 =	vxor.u32 v7, v9;
	v2 =	vsel vm15, $0x3F800000, v1;
	v5 =	vor.u32 v11, v5  }
0xb4: {  	v8 =	vadd.s32 v8, v3;
	v12 =	vshrl.u32 v3, $0x6;
	v4 =	vadd.s32 v4, v10  }
0xb5: {  	v13 =	vshrl.u32 v10, $0x6;
	v3 =	vshll.u32 v3, $0x1A;
	v7 =	vadd.s32 v7, v9  }
0xb6: {  	v14 =	vshrl.u32 v9, $0x6;
	v10 =	vshll.u32 v10, $0x1A;
	v9 =	vshll.u32 v9, $0x1A  }
0xb7: {  	v5 =	vxor.u32 v6, v5;
	v3 =	vor.u32 v12, v3;
	v9 =	vor.u32 v14, v9  }
0xb8: {  	v10 =	vor.u32 v13, v10;
	v6 =	vadd.s32 v6, v5;
	v11 =	vshrl.u32 v5, $0x6  }
0xb9: {  	v5 =	vshll.u32 v5, $0x1A;
	v9 =	vxor.u32 v7, v9;
	v3 =	vxor.u32 v8, v3  }
0xba: {  	v10 =	vxor.u32 v4, v10;
	v5 =	vor.u32 v11, v5;
	v8 =	vadd.s32 v8, v3  }
0xbb: {  	v12 =	vshrl.u32 v3, $0x1A;
	v3 =	vshll.u32 v3, $0x6;
	v4 =	vadd.s32 v4, v10  }
0xbc: {  	v13 =	vshrl.u32 v10, $0x1A;
	v10 =	vshll.u32 v10, $0x6;
	v7 =	vadd.s32 v7, v9  }
0xbd: {  	v14 =	vshrl.u32 v9, $0x1A;
	v9 =	vshll.u32 v9, $0x6;
	v5 =	vxor.u32 v6, v5  }
0xbe: {  	v10 =	vor.u32 v13, v10;
	v3 =	vor.u32 v12, v3;
	v9 =	vor.u32 v14, v9  }
0xbf: {  	v6 =	vadd.s32 v6, v5;
	v11 =	vshrl.u32 v5, $0x1A;
	v5 =	vshll.u32 v5, $0x6  }
0xc0: {  	v3 =	vxor.u32 v8, v3;
	v9 =	vxor.u32 v7, v9;
	v10 =	vxor.u32 v4, v10  }
0xc1: {  	v5 =	vor.u32 v11, v5;
	v9 =	vadd.s32 $0x1BD11BDC, v9;
	v3 =	vadd.s32 $0x1BD11BDC, v3  }
0xc2: {  	v10 =	vadd.s32 $0x1BD11BDC, v10;
	v5 =	vxor.u32 v6, v5;
	v8 =	vadd.s32 v3, v8  }
0xc3: {  	v12 =	vshrl.u32 v3, $0xF;
	v3 =	vshll.u32 v3, $0x11;
	v4 =	vadd.s32 v10, v4  }
0xc4: {  	v13 =	vshrl.u32 v10, $0xF;
	v10 =	vshll.u32 v10, $0x11;
	v7 =	vadd.s32 v9, v7  }
0xc5: {  	v14 =	vshrl.u32 v9, $0xF;
	v9 =	vshll.u32 v9, $0x11;
	v5 =	vadd.s32 $0x1BD11BDC, v5  }
0xc6: {  	v8 =	vadd.s32 $0x1, v8;
	v4 =	vadd.s32 $0x1, v4;
	v10 =	vor.u32 v13, v10  }
0xc7: {  	v3 =	vor.u32 v12, v3;
	v7 =	vadd.s32 $0x1, v7;
	v9 =	vor.u32 v14, v9  }
0xc8: {  	v6 =	vadd.s32 v5, v6;
	v11 =	vshrl.u32 v5, $0xF;
	v5 =	vshll.u32 v5, $0x11  }
0xc9: {  	v9 =	vxor.u32 v7, v9;
	v10 =	vxor.u32 v4, v10;
	v3 =	vxor.u32 v8, v3  }
0xca: {  	v6 =	vadd.s32 $0x1, v6;
	v5 =	vor.u32 v11, v5;
	v8 =	vadd.s32 v8, v3  }
0xcb: {  	v12 =	vshrl.u32 v3, $0x3;
	v3 =	vshll.u32 v3, $0x1D;
	v4 =	vadd.s32 v4, v10  }
0xcc: {  	v13 =	vshrl.u32 v10, $0x3;
	v10 =	vshll.u32 v10, $0x1D;
	v7 =	vadd.s32 v7, v9  }
0xcd: {  	v14 =	vshrl.u32 v9, $0x3;
	v9 =	vshll.u32 v9, $0x1D;
	v5 =	vxor.u32 v6, v5  }
0xce: {  	v10 =	vor.u32 v13, v10;
	v3 =	vor.u32 v12, v3;
	v9 =	vor.u32 v14, v9  }
0xcf: {  	v6 =	vadd.s32 v6, v5;
	v11 =	vshrl.u32 v5, $0x3;
	v5 =	vshll.u32 v5, $0x1D  }
0xd0: {  	v3 =	vxor.u32 v8, v3;
	v9 =	vxor.u32 v7, v9;
	v10 =	vxor.u32 v4, v10  }
0xd1: {  	v5 =	vor.u32 v11, v5;
	v8 =	vadd.s32 v8, v3;
	v4 =	vadd.s32 v4, v10  }
0xd2: {  	v12 =	vshrl.u32 v3, $0x10;
	v3 =	vshll.u32 v3, $0x10;
	v7 =	vadd.s32 v7, v9  }
0xd3: {  	v13 =	vshrl.u32 v10, $0x10;
	v14 =	vshrl.u32 v9, $0x10;
	v9 =	vshll.u32 v9, $0x10  }
0xd4: {  	v10 =	vshll.u32 v10, $0x10;
	v5 =	vxor.u32 v6, v5;
	v9 =	vor.u32 v14, v9  }
0xd5: {  	v10 =	vor.u32 v13, v10;
	v3 =	vor.u32 v12, v3;
	v6 =	vadd.s32 v6, v5  }
0xd6: {  	v11 =	vshrl.u32 v5, $0x10;
	v5 =	vshll.u32 v5, $0x10;
	v10 =	vxor.u32 v4, v10  }
0xd7: {  	v3 =	vxor.u32 v8, v3;
	v9 =	vxor.u32 v7, v9;
	v5 =	vor.u32 v11, v5  }
0xd8: {  	v8 =	vadd.s32 v8, v3;
	v12 =	vshrl.u32 v3, $0x8;
	v13 =	vadd.s32 v4, v10  }
0xd9: {  	v4 =	vshrl.u32 v10, $0x8;
	v3 =	vshll.u32 v3, $0x18;
	v14 =	vadd.s32 v7, v9  }
0xda: {  	v7 =	vshrl.u32 v9, $0x8;
	v10 =	vshll.u32 v10, $0x18;
	v9 =	vshll.u32 v9, $0x18  }
0xdb: {  	v5 =	vxor.u32 v6, v5;
	v3 =	vor.u32 v12, v3;
	v7 =	vor.u32 v7, v9  }
0xdc: {  	v4 =	vor.u32 v4, v10;
	v6 =	vadd.s32 v6, v5;
	v11 =	vshrl.u32 v5, $0x8  }
0xdd: {  	v5 =	vshll.u32 v5, $0x18;
	v7 =	vxor.u32 v14, v7;
	v4 =	vxor.u32 v13, v4  }
0xde: {  	v3 =	vxor.u32 v8, v3;
	v5 =	vor.u32 v11, v5;
	v11 =	vadd.s32 $0x2, v4  }
0xdf: {  	v9 =	vadd.s32 $0x2, v3;
	v12 =	vadd.s32 $0x2, v7;
	v5 =	vxor.u32 v6, v5  }
0xe0: {  	v3 =	vadd.s32 v9, v8;
	v4 =	vshrl.u32 v9, $0x13;
	v7 =	vadd.s32 v11, v13  }
0xe1: {  	v8 =	vshll.u32 v9, $0xD;
	v9 =	vadd.s32 v12, v14;
	v5 =	vadd.s32 $0x2, v5  }
0xe2: {  	v10 =	vshrl.u32 v12, $0x13;
	v13 =	vshll.u32 v12, $0xD;
	v6 =	vadd.s32 v5, v6  }
0xe3: {  	s11 =	simm.s32 $0x60;
	[tilespmem:s10+$0x10] =	vst v2;
	v15 =	vshrl.u32 v5, $0x13;
	v16 =	vshll.u32 v5, $0xD;
	v5 =	vshrl.u32 v11, $0x13  }
0xe4: {  	s12 =	simm.s32 $0x80;
	v2 =	vld [tilespmem:s11+$0xFFFFFFE0];
	v11 =	vshll.u32 v11, $0xD;
	v6 =	vadd.s32 $0x1BD11BDB, v6;
	v12 =	vor.u32 v15, v16  }
.LBB2_2:
0xe5: {  	p0 =	sne.s32 s12, $0x7C0;
	v7 =	vadd.s32 $0x1BD11BDB, v7;
	v3 =	vadd.s32 $0x1BD11BDB, v3;
	v4 =	vor.u32 v4, v8  }
0xe6: {  	v8 =	vadd.s32 $0x1BD11BDB, v9;
	v9 =	vor.u32 v10, v13;
	v5 =	vor.u32 v5, v11  }
0xe7: {  	v10 =	vxor.u32 v6, v12;
	v5 =	vxor.u32 v7, v5;
	v4 =	vxor.u32 v3, v4  }
0xe8: {  	v9 =	vxor.u32 v8, v9;
	v6 =	vadd.s32 v6, v10;
	v11 =	vshrl.u32 v10, $0x11  }
0xe9: {  	v10 =	vshll.u32 v10, $0xF;
	v3 =	vadd.s32 v3, v4;
	v12 =	vshrl.u32 v4, $0x11  }
0xea: {  	v7 =	vadd.s32 v7, v5;
	v13 =	vshrl.u32 v5, $0x11;
	v4 =	vshll.u32 v4, $0xF  }
0xeb: {  	v8 =	vadd.s32 v8, v9;
	v14 =	vshrl.u32 v9, $0x11;
	v5 =	vshll.u32 v5, $0xF  }
0xec: {  	v9 =	vshll.u32 v9, $0xF;
	v10 =	vor.u32 v11, v10;
	v4 =	vor.u32 v12, v4  }
0xed: {  	v9 =	vor.u32 v14, v9;
	v5 =	vor.u32 v13, v5;
	v10 =	vxor.u32 v6, v10  }
0xee: {  	v9 =	vxor.u32 v8, v9;
	v5 =	vxor.u32 v7, v5;
	v4 =	vxor.u32 v3, v4  }
0xef: {  	v6 =	vadd.s32 v6, v10;
	v11 =	vshrl.u32 v10, $0x6;
	v10 =	vshll.u32 v10, $0x1A  }
0xf0: {  	v3 =	vadd.s32 v3, v4;
	v12 =	vshrl.u32 v4, $0x6;
	v4 =	vshll.u32 v4, $0x1A  }
0xf1: {  	v7 =	vadd.s32 v7, v5;
	v13 =	vshrl.u32 v5, $0x6;
	v5 =	vshll.u32 v5, $0x1A  }
0xf2: {  	v8 =	vadd.s32 v8, v9;
	v14 =	vshrl.u32 v9, $0x6;
	v9 =	vshll.u32 v9, $0x1A  }
0xf3: {  	v10 =	vor.u32 v11, v10;
	v5 =	vor.u32 v13, v5;
	v4 =	vor.u32 v12, v4  }
0xf4: {  	v9 =	vor.u32 v14, v9;
	v10 =	vxor.u32 v6, v10;
	v4 =	vxor.u32 v3, v4  }
0xf5: {  	v9 =	vxor.u32 v8, v9;
	v5 =	vxor.u32 v7, v5;
	v6 =	vadd.s32 v6, v10  }
0xf6: {  	v11 =	vshrl.u32 v10, $0x1A;
	v10 =	vshll.u32 v10, $0x6;
	v3 =	vadd.s32 v3, v4  }
0xf7: {  	v7 =	vadd.s32 v7, v5;
	v12 =	vshrl.u32 v4, $0x1A;
	v4 =	vshll.u32 v4, $0x6  }
0xf8: {  	v8 =	vadd.s32 v8, v9;
	v13 =	vshrl.u32 v5, $0x1A;
	v5 =	vshll.u32 v5, $0x6  }
0xf9: {  	v14 =	vshrl.u32 v9, $0x1A;
	v9 =	vshll.u32 v9, $0x6;
	v10 =	vor.u32 v11, v10  }
0xfa: {  	v9 =	vor.u32 v14, v9;
	v5 =	vor.u32 v13, v5;
	v4 =	vor.u32 v12, v4  }
0xfb: {  	v10 =	vxor.u32 v6, v10;
	v5 =	vxor.u32 v7, v5;
	v4 =	vxor.u32 v3, v4  }
0xfc: {  	v9 =	vxor.u32 v8, v9;
	v10 =	vadd.s32 $0x4, v10;
	v4 =	vadd.s32 $0x4, v4  }
0xfd: {  	v9 =	vadd.s32 $0x4, v9;
	v5 =	vadd.s32 $0x4, v5;
	v6 =	vadd.s32 v6, v10  }
0xfe: {  	v11 =	vshrl.u32 v10, $0xF;
	v10 =	vshll.u32 v10, $0x11;
	v3 =	vadd.s32 v3, v4  }
0xff: {  	v7 =	vadd.s32 v7, v5;
	v12 =	vshrl.u32 v4, $0xF;
	v4 =	vshll.u32 v4, $0x11  }
0x100: {  	v8 =	vadd.s32 v8, v9;
	v13 =	vshrl.u32 v5, $0xF;
	v5 =	vshll.u32 v5, $0x11  }
0x101: {  	v14 =	vshrl.u32 v9, $0xF;
	v9 =	vshll.u32 v9, $0x11;
	v10 =	vor.u32 v11, v10  }
0x102: {  	v9 =	vor.u32 v14, v9;
	v5 =	vor.u32 v13, v5;
	v4 =	vor.u32 v12, v4  }
0x103: {  	v10 =	vxor.u32 v6, v10;
	v5 =	vxor.u32 v7, v5;
	v4 =	vxor.u32 v3, v4  }
0x104: {  	v9 =	vxor.u32 v8, v9;
	v6 =	vadd.s32 v6, v10;
	v11 =	vshrl.u32 v10, $0x3  }
0x105: {  	v10 =	vshll.u32 v10, $0x1D;
	v3 =	vadd.s32 v3, v4;
	v12 =	vshrl.u32 v4, $0x3  }
0x106: {  	v7 =	vadd.s32 v7, v5;
	v13 =	vshrl.u32 v5, $0x3;
	v4 =	vshll.u32 v4, $0x1D  }
0x107: {  	v8 =	vadd.s32 v8, v9;
	v14 =	vshrl.u32 v9, $0x3;
	v5 =	vshll.u32 v5, $0x1D  }
0x108: {  	v9 =	vshll.u32 v9, $0x1D;
	v10 =	vor.u32 v11, v10;
	v4 =	vor.u32 v12, v4  }
0x109: {  	v9 =	vor.u32 v14, v9;
	v5 =	vor.u32 v13, v5;
	v10 =	vxor.u32 v6, v10  }
0x10a: {  	v9 =	vxor.u32 v8, v9;
	v5 =	vxor.u32 v7, v5;
	v4 =	vxor.u32 v3, v4  }
0x10b: {  	v6 =	vadd.s32 v6, v10;
	v11 =	vshrl.u32 v10, $0x10;
	v10 =	vshll.u32 v10, $0x10  }
0x10c: {  	v3 =	vadd.s32 v3, v4;
	v12 =	vshrl.u32 v4, $0x10;
	v4 =	vshll.u32 v4, $0x10  }
0x10d: {  	v7 =	vadd.s32 v7, v5;
	v13 =	vshrl.u32 v5, $0x10;
	v5 =	vshll.u32 v5, $0x10  }
0x10e: {  	v8 =	vadd.s32 v8, v9;
	v14 =	vshrl.u32 v9, $0x10;
	v9 =	vshll.u32 v9, $0x10  }
0x10f: {  	v10 =	vor.u32 v11, v10;
	v5 =	vor.u32 v13, v5;
	v4 =	vor.u32 v12, v4  }
0x110: {  	v9 =	vor.u32 v14, v9;
	v10 =	vxor.u32 v6, v10;
	v4 =	vxor.u32 v3, v4  }
0x111: {  	v9 =	vxor.u32 v8, v9;
	v5 =	vxor.u32 v7, v5;
	v6 =	vadd.s32 v6, v10  }
0x112: {  	v11 =	vshrl.u32 v10, $0x8;
	v10 =	vshll.u32 v10, $0x18;
	v3 =	vadd.s32 v3, v4  }
0x113: {  	v7 =	vadd.s32 v7, v5;
	v12 =	vshrl.u32 v4, $0x8;
	v4 =	vshll.u32 v4, $0x18  }
0x114: {  	v8 =	vadd.s32 v8, v9;
	v13 =	vshrl.u32 v5, $0x8;
	v5 =	vshll.u32 v5, $0x18  }
0x115: {  	v14 =	vshrl.u32 v9, $0x8;
	v9 =	vshll.u32 v9, $0x18;
	v10 =	vor.u32 v11, v10  }
0x116: {  	v9 =	vor.u32 v14, v9;
	v5 =	vor.u32 v13, v5;
	v4 =	vor.u32 v12, v4  }
0x117: {  	v10 =	vxor.u32 v6, v10;
	v5 =	vxor.u32 v7, v5;
	v4 =	vxor.u32 v3, v4  }
0x118: {  	v9 =	vxor.u32 v8, v9;
	v10 =	vadd.s32 $0x1BD11BDF, v10;
	v4 =	vadd.s32 $0x1BD11BDF, v4  }
0x119: {  	v9 =	vadd.s32 $0x1BD11BDF, v9;
	v5 =	vadd.s32 $0x1BD11BDF, v5;
	v6 =	vadd.s32 v10, v6  }
0x11a: {  	v11 =	vshrl.u32 v10, $0x13;
	v10 =	vshll.u32 v10, $0xD;
	v3 =	vadd.s32 v4, v3  }
0x11b: {  	v8 =	vadd.s32 v9, v8;
	v12 =	vshrl.u32 v9, $0x13;
	v9 =	vshll.u32 v9, $0xD  }
0x11c: {  	v8 =	vadd.s32 $0x1, v8;
	v9 =	vor.u32 v12, v9;
	v12 =	vshrl.u32 v4, $0x13  }
0x11d: {  	v7 =	vadd.s32 v5, v7;
	v4 =	vshll.u32 v4, $0xD;
	v9 =	vxor.u32 v8, v9  }
0x11e: {  	v15 =	vshrl.u32 v5, $0x13;
	v13 =	vshrl.u32 v9, $0x11;
	v14 =	vshll.u32 v9, $0xF  }
0x11f: {  	v5 =	vshll.u32 v5, $0xD;
	v8 =	vadd.s32 v8, v9;
	v9 =	vor.u32 v13, v14  }
0x120: {  	v6 =	vadd.s32 $0x1, v6;
	v10 =	vor.u32 v11, v10;
	v9 =	vxor.u32 v8, v9  }
0x121: {  	v3 =	vadd.s32 $0x1, v3;
	v11 =	vshrl.u32 v9, $0x6;
	v13 =	vshll.u32 v9, $0x1A  }
0x122: {  	v4 =	vor.u32 v12, v4;
	v8 =	vadd.s32 v8, v9;
	v9 =	vor.u32 v11, v13  }
0x123: {  	v7 =	vadd.s32 $0x1, v7;
	v5 =	vor.u32 v15, v5;
	v9 =	vxor.u32 v8, v9  }
0x124: {  	v5 =	vxor.u32 v7, v5;
	v11 =	vshrl.u32 v9, $0x1A;
	v12 =	vshll.u32 v9, $0x6  }
0x125: {  	v7 =	vadd.s32 v7, v5;
	v8 =	vadd.s32 v8, v9;
	v9 =	vor.u32 v11, v12  }
0x126: {  	v11 =	vshrl.u32 v5, $0x11;
	v5 =	vshll.u32 v5, $0xF;
	v9 =	vxor.u32 v8, v9  }
0x127: {  	v8 =	vadd.s32 $0x1BD11BDB, v8;
	v5 =	vor.u32 v11, v5;
	v9 =	vadd.s32 $0x5, v9  }
0x128: {  	v4 =	vxor.u32 v3, v4;
	v5 =	vxor.u32 v7, v5;
	v8 =	vxor.u32 v8, v9  }
0x129: {  	v9 =	vshrl.u32 v5, $0x6;
	v11 =	vshll.u32 v5, $0x1A;
	v8 =	vshrl.u32 v8, $0x9  }
0x12a: {  	v5 =	vadd.s32 v7, v5;
	v7 =	vor.u32 v9, v11;
	v8 =	vor.u32 $0x3F800000, v8  }
0x12b: {  	v3 =	vadd.s32 v3, v4;
	v7 =	vxor.u32 v5, v7;
	v8 =	vadd.f32 $-1.000000000e+00, v8  }
0x12c: {  	v12 =	vshrl.u32 v4, $0x11;
	v9 =	vshrl.u32 v7, $0x1A;
	v11 =	vshll.u32 v7, $0x6  }
0x12d: {  	vm0 =	vlt.f32 v8, v2;
	v2 =	vadd.s32 v5, v7;
	v5 =	vor.u32 v9, v11  }
0x12e: {  	s10 =	sadd.s32 $0x40, s10;
	v4 =	vshll.u32 v4, $0xF;
	v7 =	vsel vm0, $0x3F800000, v1;
	v5 =	vxor.u32 v2, v5  }
0x12f: {  	v4 =	vor.u32 v12, v4;
	v2 =	vadd.s32 $0x1BD11BDB, v2;
	v5 =	vadd.s32 $0x5, v5;
	[tilespmem:s10+$0xFFFFFFE0] =	vst v7  }
0x130: {  	v4 =	vxor.u32 v3, v4;
	v2 =	vxor.u32 v2, v5;
	v5 =	vxor.u32 v6, v10;
	v7 =	vld [tilespmem:s11+$0xFFFFFFF0]  }
0x131: {  	v8 =	vshrl.u32 v4, $0x6;
	v9 =	vshll.u32 v4, $0x1A;
	v2 =	vshrl.u32 v2, $0x9  }
0x132: {  	v3 =	vadd.s32 v3, v4;
	v4 =	vor.u32 v8, v9;
	v2 =	vor.u32 $0x3F800000, v2  }
0x133: {  	v4 =	vxor.u32 v3, v4;
	v6 =	vadd.s32 v6, v5;
	v2 =	vadd.f32 $-1.000000000e+00, v2  }
0x134: {  	v8 =	vshrl.u32 v4, $0x1A;
	v9 =	vshll.u32 v4, $0x6;
	v10 =	vshrl.u32 v5, $0x11  }
0x135: {  	vm0 =	vlt.f32 v2, v7;
	v2 =	vadd.s32 v3, v4;
	v3 =	vor.u32 v8, v9  }
0x136: {  	s13 =	sadd.s32 s12, s3;
	v5 =	vshll.u32 v5, $0xF;
	v4 =	vsel vm0, $0x3F800000, v1;
	v3 =	vxor.u32 v2, v3  }
0x137: {  	s14 =	sadd.s32 $0xE4270, s13;
	v2 =	vadd.s32 $0x1BD11BDB, v2;
	[tilespmem:s10+$0xFFFFFFF0] =	vst v4;
	v3 =	vadd.s32 $0x5, v3;
	v4 =	vor.u32 v10, v5  }
0x138: {  	v5 =	vadd.s32 s14, v0;
	v7 =	vld [tilespmem:s11+$0x0];
	v2 =	vxor.u32 v2, v3;
	v3 =	vxor.u32 v6, v4  }
0x139: {  	v2 =	vshrl.u32 v2, $0x9;
	v4 =	vshrl.u32 v3, $0x6;
	v8 =	vshll.u32 v3, $0x1A  }
0x13a: {  	s14 =	sadd.s32 $0xE4260, s13;
	v3 =	vadd.s32 v6, v3;
	v2 =	vor.u32 $0x3F800000, v2;
	v4 =	vor.u32 v4, v8  }
0x13b: {  	v6 =	vmov s14;
	v2 =	vadd.f32 $-1.000000000e+00, v2;
	v4 =	vxor.u32 v3, v4  }
0x13c: {  	v8 =	vor.u32 s14, v0;
	v9 =	vshrl.u32 v4, $0x1A;
	v10 =	vshll.u32 v4, $0x6  }
0x13d: {  	s14 =	sadd.s32 $0xE4250, s13;
	vm0 =	vlt.f32 v2, v7;
	v2 =	vadd.s32 v3, v4;
	v3 =	vor.u32 v9, v10  }
0x13e: {  	s13 =	sadd.s32 $0xE4240, s13;
	v4 =	vadd.s32 s14, v0;
	v7 =	vsel vm0, $0x3F800000, v1;
	v3 =	vxor.u32 v2, v3  }
0x13f: {  	v9 =	vmov s13;
	v2 =	vadd.s32 $0x1BD11BDB, v2;
	[tilespmem:s10+$0x0] =	vst v7;
	v3 =	vadd.s32 $0x5, v3  }
0x140: {  	v10 =	vshrl.u32 v5, $0x13;
	v7 =	vor.u32 s13, v0;
	v11 =	vld [tilespmem:s11+$0x10];
	v2 =	vxor.u32 v2, v3  }
0x141: {  	v3 =	vshrl.u32 v6, $0x13;
	v6 =	vshll.u32 v5, $0xD;
	v2 =	vshrl.u32 v2, $0x9  }
0x142: {  	v13 =	vshll.u32 v8, $0xD;
	v12 =	vshrl.u32 v4, $0x13;
	v2 =	vor.u32 $0x3F800000, v2  }
0x143: {  	v9 =	vshrl.u32 v9, $0x13;
	v14 =	vshll.u32 v4, $0xD;
	v2 =	vadd.f32 $-1.000000000e+00, v2  }
0x144: {  	v15 =	vshll.u32 v7, $0xD;
	v3 =	vor.u32 v3, v13;
	v6 =	vor.u32 v10, v6  }
0x145: {  	v9 =	vor.u32 v9, v15;
	v10 =	vor.u32 v12, v14;
	vm0 =	vlt.f32 v2, v11  }
0x146: {  	v3 =	vxor.u32 v8, v3;
	v6 =	vxor.u32 v5, v6;
	v2 =	vsel vm0, $0x3F800000, v1  }
0x147: {  	s11 =	sadd.s32 $0x40, s11;
	v9 =	vxor.u32 v7, v9;
	v10 =	vxor.u32 v4, v10;
	v5 =	vadd.s32 v5, v6;
	[tilespmem:s10+$0x10] =	vst v2  }
0x148: {  	v8 =	vadd.s32 v8, v3;
	v11 =	vshrl.u32 v6, $0x11;
	v6 =	vshll.u32 v6, $0xF;
	v2 =	vld [tilespmem:s11+$0xFFFFFFE0]  }
0x149: {  	v4 =	vadd.s32 v4, v10;
	v12 =	vshrl.u32 v3, $0x11;
	v3 =	vshll.u32 v3, $0xF  }
0x14a: {  	v7 =	vadd.s32 v7, v9;
	v13 =	vshrl.u32 v10, $0x11;
	v10 =	vshll.u32 v10, $0xF  }
0x14b: {  	v14 =	vshrl.u32 v9, $0x11;
	v9 =	vshll.u32 v9, $0xF;
	v6 =	vor.u32 v11, v6  }
0x14c: {  	v9 =	vor.u32 v14, v9;
	v10 =	vor.u32 v13, v10;
	v3 =	vor.u32 v12, v3  }
0x14d: {  	v10 =	vxor.u32 v4, v10;
	v3 =	vxor.u32 v8, v3;
	v6 =	vxor.u32 v5, v6  }
0x14e: {  	v9 =	vxor.u32 v7, v9;
	v5 =	vadd.s32 v5, v6;
	v11 =	vshrl.u32 v6, $0x6  }
0x14f: {  	v8 =	vadd.s32 v8, v3;
	v12 =	vshrl.u32 v3, $0x6;
	v6 =	vshll.u32 v6, $0x1A  }
0x150: {  	v4 =	vadd.s32 v4, v10;
	v13 =	vshrl.u32 v10, $0x6;
	v3 =	vshll.u32 v3, $0x1A  }
0x151: {  	v7 =	vadd.s32 v7, v9;
	v14 =	vshrl.u32 v9, $0x6;
	v10 =	vshll.u32 v10, $0x1A  }
0x152: {  	v9 =	vshll.u32 v9, $0x1A;
	v3 =	vor.u32 v12, v3;
	v6 =	vor.u32 v11, v6  }
0x153: {  	v9 =	vor.u32 v14, v9;
	v10 =	vor.u32 v13, v10;
	v6 =	vxor.u32 v5, v6  }
0x154: {  	v9 =	vxor.u32 v7, v9;
	v10 =	vxor.u32 v4, v10;
	v3 =	vxor.u32 v8, v3  }
0x155: {  	v5 =	vadd.s32 v5, v6;
	v11 =	vshrl.u32 v6, $0x1A;
	v6 =	vshll.u32 v6, $0x6  }
0x156: {  	v8 =	vadd.s32 v8, v3;
	v12 =	vshrl.u32 v3, $0x1A;
	v3 =	vshll.u32 v3, $0x6  }
0x157: {  	v4 =	vadd.s32 v4, v10;
	v13 =	vshrl.u32 v10, $0x1A;
	v10 =	vshll.u32 v10, $0x6  }
0x158: {  	v7 =	vadd.s32 v7, v9;
	v14 =	vshrl.u32 v9, $0x1A;
	v9 =	vshll.u32 v9, $0x6  }
0x159: {  	v10 =	vor.u32 v13, v10;
	v3 =	vor.u32 v12, v3;
	v6 =	vor.u32 v11, v6  }
0x15a: {  	v9 =	vor.u32 v14, v9;
	v3 =	vxor.u32 v8, v3;
	v6 =	vxor.u32 v5, v6  }
0x15b: {  	v9 =	vxor.u32 v7, v9;
	v10 =	vxor.u32 v4, v10;
	v6 =	vadd.s32 $0x1BD11BDC, v6  }
0x15c: {  	v9 =	vadd.s32 $0x1BD11BDC, v9;
	v10 =	vadd.s32 $0x1BD11BDC, v10;
	v3 =	vadd.s32 $0x1BD11BDC, v3  }
0x15d: {  	v5 =	vadd.s32 v6, v5;
	v11 =	vshrl.u32 v6, $0xF;
	v6 =	vshll.u32 v6, $0x11  }
0x15e: {  	v8 =	vadd.s32 v3, v8;
	v12 =	vshrl.u32 v3, $0xF;
	v3 =	vshll.u32 v3, $0x11  }
0x15f: {  	v4 =	vadd.s32 v10, v4;
	v13 =	vshrl.u32 v10, $0xF;
	v10 =	vshll.u32 v10, $0x11  }
0x160: {  	v7 =	vadd.s32 v9, v7;
	v14 =	vshrl.u32 v9, $0xF;
	v9 =	vshll.u32 v9, $0x11  }
0x161: {  	v8 =	vadd.s32 $0x1, v8;
	v5 =	vadd.s32 $0x1, v5;
	v6 =	vor.u32 v11, v6  }
0x162: {  	v4 =	vadd.s32 $0x1, v4;
	v10 =	vor.u32 v13, v10;
	v3 =	vor.u32 v12, v3  }
0x163: {  	v7 =	vadd.s32 $0x1, v7;
	v9 =	vor.u32 v14, v9;
	v6 =	vxor.u32 v5, v6  }
0x164: {  	v9 =	vxor.u32 v7, v9;
	v10 =	vxor.u32 v4, v10;
	v3 =	vxor.u32 v8, v3  }
0x165: {  	v5 =	vadd.s32 v5, v6;
	v11 =	vshrl.u32 v6, $0x3;
	v6 =	vshll.u32 v6, $0x1D  }
0x166: {  	v8 =	vadd.s32 v8, v3;
	v12 =	vshrl.u32 v3, $0x3;
	v3 =	vshll.u32 v3, $0x1D  }
0x167: {  	v4 =	vadd.s32 v4, v10;
	v13 =	vshrl.u32 v10, $0x3;
	v10 =	vshll.u32 v10, $0x1D  }
0x168: {  	v7 =	vadd.s32 v7, v9;
	v14 =	vshrl.u32 v9, $0x3;
	v9 =	vshll.u32 v9, $0x1D  }
0x169: {  	v10 =	vor.u32 v13, v10;
	v3 =	vor.u32 v12, v3;
	v6 =	vor.u32 v11, v6  }
0x16a: {  	v9 =	vor.u32 v14, v9;
	v3 =	vxor.u32 v8, v3;
	v6 =	vxor.u32 v5, v6  }
0x16b: {  	v9 =	vxor.u32 v7, v9;
	v10 =	vxor.u32 v4, v10;
	v5 =	vadd.s32 v5, v6  }
0x16c: {  	v8 =	vadd.s32 v8, v3;
	v11 =	vshrl.u32 v6, $0x10;
	v6 =	vshll.u32 v6, $0x10  }
0x16d: {  	v4 =	vadd.s32 v4, v10;
	v12 =	vshrl.u32 v3, $0x10;
	v3 =	vshll.u32 v3, $0x10  }
0x16e: {  	v7 =	vadd.s32 v7, v9;
	v13 =	vshrl.u32 v10, $0x10;
	v10 =	vshll.u32 v10, $0x10  }
0x16f: {  	v14 =	vshrl.u32 v9, $0x10;
	v9 =	vshll.u32 v9, $0x10;
	v6 =	vor.u32 v11, v6  }
0x170: {  	v9 =	vor.u32 v14, v9;
	v10 =	vor.u32 v13, v10;
	v3 =	vor.u32 v12, v3  }
0x171: {  	v10 =	vxor.u32 v4, v10;
	v3 =	vxor.u32 v8, v3;
	v6 =	vxor.u32 v5, v6  }
0x172: {  	v9 =	vxor.u32 v7, v9;
	v5 =	vadd.s32 v5, v6;
	v11 =	vshrl.u32 v6, $0x8  }
0x173: {  	v8 =	vadd.s32 v8, v3;
	v12 =	vshrl.u32 v3, $0x8;
	v6 =	vshll.u32 v6, $0x18  }
0x174: {  	v13 =	vadd.s32 v4, v10;
	v4 =	vshrl.u32 v10, $0x8;
	v3 =	vshll.u32 v3, $0x18  }
0x175: {  	v14 =	vadd.s32 v7, v9;
	v7 =	vshrl.u32 v9, $0x8;
	v10 =	vshll.u32 v10, $0x18  }
0x176: {  	v9 =	vshll.u32 v9, $0x18;
	v3 =	vor.u32 v12, v3;
	v6 =	vor.u32 v11, v6  }
0x177: {  	v7 =	vor.u32 v7, v9;
	v4 =	vor.u32 v4, v10;
	v6 =	vxor.u32 v5, v6  }
0x178: {  	v7 =	vxor.u32 v14, v7;
	v4 =	vxor.u32 v13, v4;
	v3 =	vxor.u32 v8, v3  }
0x179: {  	v11 =	vadd.s32 $0x2, v4;
	v9 =	vadd.s32 $0x2, v3;
	v6 =	vadd.s32 $0x2, v6  }
.Ltmp0:
0x17a: {  	v12 =	vadd.s32 $0x2, v7;
	v15 =	vadd.s32 v6, v5;
	v16 =	vshrl.u32 v6, $0x13;
	(pc) =	sbr.rel @p0 .LBB2_2-.Ltmp0, $4  }
0x17b: {  	v3 =	vadd.s32 v9, v8;
	v4 =	vshrl.u32 v9, $0x13;
	v17 =	vshll.u32 v6, $0xD  }
0x17c: {  	v7 =	vadd.s32 v11, v13;
	v8 =	vshll.u32 v9, $0xD;
	v5 =	vshrl.u32 v11, $0x13  }
0x17d: {  	v9 =	vadd.s32 v12, v14;
	v10 =	vshrl.u32 v12, $0x13;
	v11 =	vshll.u32 v11, $0xD  }
0x17e: {  	s12 =	sadd.s32 $0x40, s12;
	v13 =	vshll.u32 v12, $0xD;
	v6 =	vadd.s32 $0x1BD11BDB, v15;
	v12 =	vor.u32 v16, v17  }
0x17f: {  	v7 =	vadd.s32 $0x1BD11BDB, v7;
	v3 =	vadd.s32 $0x1BD11BDB, v3;
	v4 =	vor.u32 v4, v8  }
0x180: {  	v48 =	vadd.s32 $0x1BD11BDB, v9;
	v49 =	vor.u32 v10, v13;
	v5 =	vor.u32 v5, v11  }
0x181: {  	v50 =	vxor.u32 v6, v12;
	v5 =	vxor.u32 v7, v5;
	v4 =	vxor.u32 v3, v4  }
0x182: {  	v9 =	vxor.u32 v48, v49;
	v6 =	vadd.s32 v6, v50;
	v51 =	vshrl.u32 v50, $0x11  }
0x183: {  	v10 =	vshll.u32 v50, $0xF;
	v3 =	vadd.s32 v3, v4;
	v52 =	vshrl.u32 v4, $0x11  }
0x184: {  	v7 =	vadd.s32 v7, v5;
	v53 =	vshrl.u32 v5, $0x11;
	v4 =	vshll.u32 v4, $0xF  }
0x185: {  	v8 =	vadd.s32 v48, v9;
	v14 =	vshrl.u32 v9, $0x11;
	v5 =	vshll.u32 v5, $0xF  }
0x186: {  	v9 =	vshll.u32 v9, $0xF;
	v10 =	vor.u32 v51, v10;
	v4 =	vor.u32 v52, v4  }
0x187: {  	v9 =	vor.u32 v14, v9;
	v5 =	vor.u32 v53, v5;
	v10 =	vxor.u32 v6, v10  }
0x188: {  	v9 =	vxor.u32 v8, v9;
	v5 =	vxor.u32 v7, v5;
	v4 =	vxor.u32 v3, v4  }
0x189: {  	v6 =	vadd.s32 v6, v10;
	v54 =	vshrl.u32 v10, $0x6;
	v10 =	vshll.u32 v10, $0x1A  }
0x18a: {  	v3 =	vadd.s32 v3, v4;
	v55 =	vshrl.u32 v4, $0x6;
	v4 =	vshll.u32 v4, $0x1A  }
0x18b: {  	v7 =	vadd.s32 v7, v5;
	v56 =	vshrl.u32 v5, $0x6;
	v5 =	vshll.u32 v5, $0x1A  }
0x18c: {  	v8 =	vadd.s32 v8, v9;
	v57 =	vshrl.u32 v9, $0x6;
	v9 =	vshll.u32 v9, $0x1A  }
0x18d: {  	v10 =	vor.u32 v54, v10;
	v5 =	vor.u32 v56, v5;
	v4 =	vor.u32 v55, v4  }
0x18e: {  	v9 =	vor.u32 v57, v9;
	v10 =	vxor.u32 v6, v10;
	v4 =	vxor.u32 v3, v4  }
0x18f: {  	v9 =	vxor.u32 v8, v9;
	v5 =	vxor.u32 v7, v5;
	v6 =	vadd.s32 v6, v10  }
0x190: {  	v58 =	vshrl.u32 v10, $0x1A;
	v10 =	vshll.u32 v10, $0x6;
	v3 =	vadd.s32 v3, v4  }
0x191: {  	v7 =	vadd.s32 v7, v5;
	v59 =	vshrl.u32 v4, $0x1A;
	v4 =	vshll.u32 v4, $0x6  }
0x192: {  	v8 =	vadd.s32 v8, v9;
	v60 =	vshrl.u32 v5, $0x1A;
	v5 =	vshll.u32 v5, $0x6  }
0x193: {  	v61 =	vshrl.u32 v9, $0x1A;
	v9 =	vshll.u32 v9, $0x6;
	v10 =	vor.u32 v58, v10  }
0x194: {  	v9 =	vor.u32 v61, v9;
	v5 =	vor.u32 v60, v5;
	v4 =	vor.u32 v59, v4  }
0x195: {  	v10 =	vxor.u32 v6, v10;
	v5 =	vxor.u32 v7, v5;
	v4 =	vxor.u32 v3, v4  }
0x196: {  	v9 =	vxor.u32 v8, v9;
	v10 =	vadd.s32 $0x4, v10;
	v4 =	vadd.s32 $0x4, v4  }
0x197: {  	v9 =	vadd.s32 $0x4, v9;
	v5 =	vadd.s32 $0x4, v5;
	v6 =	vadd.s32 v6, v10  }
0x198: {  	v62 =	vshrl.u32 v10, $0xF;
	v10 =	vshll.u32 v10, $0x11;
	v3 =	vadd.s32 v3, v4  }
0x199: {  	v7 =	vadd.s32 v7, v5;
	v63 =	vshrl.u32 v4, $0xF;
	v4 =	vshll.u32 v4, $0x11  }
0x19a: {  	v8 =	vadd.s32 v8, v9;
	v16 =	vshrl.u32 v5, $0xF;
	v5 =	vshll.u32 v5, $0x11  }
0x19b: {  	v17 =	vshrl.u32 v9, $0xF;
	v9 =	vshll.u32 v9, $0x11;
	v10 =	vor.u32 v62, v10  }
0x19c: {  	v9 =	vor.u32 v17, v9;
	v5 =	vor.u32 v16, v5;
	v4 =	vor.u32 v63, v4  }
0x19d: {  	v10 =	vxor.u32 v6, v10;
	v5 =	vxor.u32 v7, v5;
	v4 =	vxor.u32 v3, v4  }
0x19e: {  	v9 =	vxor.u32 v8, v9;
	v6 =	vadd.s32 v6, v10;
	v18 =	vshrl.u32 v10, $0x3  }
0x19f: {  	v10 =	vshll.u32 v10, $0x1D;
	v3 =	vadd.s32 v3, v4;
	v19 =	vshrl.u32 v4, $0x3  }
0x1a0: {  	v7 =	vadd.s32 v7, v5;
	v20 =	vshrl.u32 v5, $0x3;
	v4 =	vshll.u32 v4, $0x1D  }
0x1a1: {  	v8 =	vadd.s32 v8, v9;
	v21 =	vshrl.u32 v9, $0x3;
	v5 =	vshll.u32 v5, $0x1D  }
0x1a2: {  	v9 =	vshll.u32 v9, $0x1D;
	v10 =	vor.u32 v18, v10;
	v4 =	vor.u32 v19, v4  }
0x1a3: {  	v9 =	vor.u32 v21, v9;
	v5 =	vor.u32 v20, v5;
	v10 =	vxor.u32 v6, v10  }
0x1a4: {  	v9 =	vxor.u32 v8, v9;
	v5 =	vxor.u32 v7, v5;
	v4 =	vxor.u32 v3, v4  }
0x1a5: {  	v6 =	vadd.s32 v6, v10;
	v22 =	vshrl.u32 v10, $0x10;
	v10 =	vshll.u32 v10, $0x10  }
0x1a6: {  	v3 =	vadd.s32 v3, v4;
	v23 =	vshrl.u32 v4, $0x10;
	v4 =	vshll.u32 v4, $0x10  }
0x1a7: {  	v7 =	vadd.s32 v7, v5;
	v24 =	vshrl.u32 v5, $0x10;
	v5 =	vshll.u32 v5, $0x10  }
0x1a8: {  	v8 =	vadd.s32 v8, v9;
	v25 =	vshrl.u32 v9, $0x10;
	v9 =	vshll.u32 v9, $0x10  }
0x1a9: {  	v10 =	vor.u32 v22, v10;
	v5 =	vor.u32 v24, v5;
	v4 =	vor.u32 v23, v4  }
0x1aa: {  	v9 =	vor.u32 v25, v9;
	v10 =	vxor.u32 v6, v10;
	v4 =	vxor.u32 v3, v4  }
0x1ab: {  	v9 =	vxor.u32 v8, v9;
	v5 =	vxor.u32 v7, v5;
	v6 =	vadd.s32 v6, v10  }
0x1ac: {  	v26 =	vshrl.u32 v10, $0x8;
	v10 =	vshll.u32 v10, $0x18;
	v3 =	vadd.s32 v3, v4  }
0x1ad: {  	v7 =	vadd.s32 v7, v5;
	v27 =	vshrl.u32 v4, $0x8;
	v4 =	vshll.u32 v4, $0x18  }
0x1ae: {  	v8 =	vadd.s32 v8, v9;
	v28 =	vshrl.u32 v5, $0x8;
	v5 =	vshll.u32 v5, $0x18  }
0x1af: {  	v29 =	vshrl.u32 v9, $0x8;
	v9 =	vshll.u32 v9, $0x18;
	v10 =	vor.u32 v26, v10  }
0x1b0: {  	v9 =	vor.u32 v29, v9;
	v5 =	vor.u32 v28, v5;
	v4 =	vor.u32 v27, v4  }
0x1b1: {  	v10 =	vxor.u32 v6, v10;
	v5 =	vxor.u32 v7, v5;
	v4 =	vxor.u32 v3, v4  }
0x1b2: {  	v9 =	vxor.u32 v8, v9;
	v10 =	vadd.s32 $0x1BD11BDF, v10;
	v4 =	vadd.s32 $0x1BD11BDF, v4  }
0x1b3: {  	v9 =	vadd.s32 $0x1BD11BDF, v9;
	v5 =	vadd.s32 $0x1BD11BDF, v5;
	v6 =	vadd.s32 v10, v6  }
0x1b4: {  	v30 =	vshrl.u32 v10, $0x13;
	v10 =	vshll.u32 v10, $0xD;
	v3 =	vadd.s32 v4, v3  }
0x1b5: {  	v8 =	vadd.s32 v9, v8;
	v31 =	vshrl.u32 v9, $0x13;
	v9 =	vshll.u32 v9, $0xD  }
0x1b6: {  	v32 =	vshrl.u32 v4, $0x13;
	v8 =	vadd.s32 $0x1, v8;
	v9 =	vor.u32 v31, v9  }
0x1b7: {  	v7 =	vadd.s32 v5, v7;
	v4 =	vshll.u32 v4, $0xD;
	v9 =	vxor.u32 v8, v9  }
0x1b8: {  	v15 =	vshrl.u32 v5, $0x13;
	v33 =	vshrl.u32 v9, $0x11;
	v34 =	vshll.u32 v9, $0xF  }
0x1b9: {  	v5 =	vshll.u32 v5, $0xD;
	v8 =	vadd.s32 v8, v9;
	v35 =	vor.u32 v33, v34  }
0x1ba: {  	v6 =	vadd.s32 $0x1, v6;
	v10 =	vor.u32 v30, v10;
	v9 =	vxor.u32 v8, v35  }
0x1bb: {  	v3 =	vadd.s32 $0x1, v3;
	v36 =	vshrl.u32 v9, $0x6;
	v37 =	vshll.u32 v9, $0x1A  }
0x1bc: {  	v4 =	vor.u32 v32, v4;
	v8 =	vadd.s32 v8, v9;
	v38 =	vor.u32 v36, v37  }
0x1bd: {  	v7 =	vadd.s32 $0x1, v7;
	v5 =	vor.u32 v15, v5;
	v9 =	vxor.u32 v8, v38  }
0x1be: {  	v5 =	vxor.u32 v7, v5;
	v39 =	vshrl.u32 v9, $0x1A;
	v40 =	vshll.u32 v9, $0x6  }
0x1bf: {  	v7 =	vadd.s32 v7, v5;
	v8 =	vadd.s32 v8, v9;
	v41 =	vor.u32 v39, v40  }
0x1c0: {  	v42 =	vshrl.u32 v5, $0x11;
	v5 =	vshll.u32 v5, $0xF;
	v9 =	vxor.u32 v8, v41  }
0x1c1: {  	v5 =	vor.u32 v42, v5;
	v8 =	vadd.s32 $0x1BD11BDB, v8;
	v9 =	vadd.s32 $0x5, v9  }
0x1c2: {  	v4 =	vxor.u32 v3, v4;
	v5 =	vxor.u32 v7, v5;
	v8 =	vxor.u32 v8, v9  }
0x1c3: {  	v43 =	vshrl.u32 v5, $0x6;
	v44 =	vshll.u32 v5, $0x1A;
	v8 =	vshrl.u32 v8, $0x9  }
0x1c4: {  	v5 =	vadd.s32 v7, v5;
	v45 =	vor.u32 v43, v44;
	v8 =	vor.u32 $0x3F800000, v8  }
0x1c5: {  	v3 =	vadd.s32 v3, v4;
	v7 =	vxor.u32 v5, v45;
	v8 =	vadd.f32 $-1.000000000e+00, v8  }
0x1c6: {  	v48 =	vshrl.u32 v4, $0x11;
	v46 =	vshrl.u32 v7, $0x1A;
	v47 =	vshll.u32 v7, $0x6  }
0x1c7: {  	v49 =	vor.u32 v46, v47;
	vm0 =	vlt.f32 v8, v2;
	v2 =	vadd.s32 v5, v7  }
0x1c8: {  	s10 =	sadd.s32 $0x40, s10;
	v4 =	vshll.u32 v4, $0xF;
	v50 =	vsel vm0, $0x3F800000, v1;
	v5 =	vxor.u32 v2, v49  }
0x1c9: {  	v4 =	vor.u32 v48, v4;
	v2 =	vadd.s32 $0x1BD11BDB, v2;
	[tilespmem:s10+$0xFFFFFFE0] =	vst v50;
	v5 =	vadd.s32 $0x5, v5  }
0x1ca: {  	v51 =	vxor.u32 v6, v10;
	v4 =	vxor.u32 v3, v4;
	v7 =	vld [tilespmem:s11+$0xFFFFFFF0];
	v2 =	vxor.u32 v2, v5  }
0x1cb: {  	v52 =	vshrl.u32 v4, $0x6;
	v53 =	vshll.u32 v4, $0x1A;
	v2 =	vshrl.u32 v2, $0x9  }
0x1cc: {  	v3 =	vadd.s32 v3, v4;
	v54 =	vor.u32 v52, v53;
	v2 =	vor.u32 $0x3F800000, v2  }
0x1cd: {  	v6 =	vadd.s32 v6, v51;
	v4 =	vxor.u32 v3, v54;
	v2 =	vadd.f32 $-1.000000000e+00, v2  }
0x1ce: {  	v10 =	vshrl.u32 v51, $0x11;
	v55 =	vshrl.u32 v4, $0x1A;
	v56 =	vshll.u32 v4, $0x6  }
0x1cf: {  	vm13 =	vlt.f32 v2, v7;
	v2 =	vadd.s32 v3, v4;
	v3 =	vor.u32 v55, v56  }
0x1d0: {  	v5 =	vshll.u32 v51, $0xF;
	v57 =	vsel vm13, $0x3F800000, v1;
	v3 =	vxor.u32 v2, v3  }
0x1d1: {  	v58 =	vor.u32 v10, v5;
	v2 =	vadd.s32 $0x1BD11BDB, v2;
	[tilespmem:s10+$0xFFFFFFF0] =	vst v57;
	v3 =	vadd.s32 $0x5, v3  }
0x1d2: {  	v59 =	vld [tilespmem:s11+$0x0];
	v2 =	vxor.u32 v2, v3;
	v3 =	vxor.u32 v6, v58  }
0x1d3: {  	v2 =	vshrl.u32 v2, $0x9;
	v4 =	vshrl.u32 v3, $0x6;
	v60 =	vshll.u32 v3, $0x1A  }
0x1d4: {  	v3 =	vadd.s32 v6, v3;
	v2 =	vor.u32 $0x3F800000, v2;
	v4 =	vor.u32 v4, v60  }
0x1d5: {  	v2 =	vadd.f32 $-1.000000000e+00, v2;
	v4 =	vxor.u32 v3, v4  }
0x1d6: {  	v61 =	vshrl.u32 v4, $0x1A;
	v62 =	vshll.u32 v4, $0x6  }
0x1d7: {  	vm14 =	vlt.f32 v2, v59;
	v2 =	vadd.s32 v3, v4;
	v3 =	vor.u32 v61, v62  }
0x1d8: {  	v63 =	vsel vm14, $0x3F800000, v1;
	v3 =	vxor.u32 v2, v3  }
0x1d9: {  	v2 =	vadd.s32 $0x1BD11BDB, v2;
	[tilespmem:s10+$0x0] =	vst v63;
	v3 =	vadd.s32 $0x5, v3  }
0x1da: {  	v4 =	vld [tilespmem:s11+$0x10];
	v2 =	vxor.u32 v2, v3  }
0x1db: {  	v2 =	vshrl.u32 v2, $0x9  }
0x1dc: {  	v2 =	vor.u32 $0x3F800000, v2  }
0x1dd: {  	v2 =	vadd.f32 $-1.000000000e+00, v2;
	_ =	sdelay $0x1  }
0x1de: {  	s9 =	sadd.s32 $0x1, s9;
	vm15 =	vlt.f32 v2, v4  }
0x1df: {  	p0 =	sne.s32 s9, s6;
	v2 =	vsel vm15, $0x3F800000, v1  }
.Ltmp1:
0x1e0: {  	[tilespmem:s10+$0x10] =	vst v2;
	(pc) =	sbr.rel @p0 .LBB2_1-.Ltmp1, $4  }
0x1e1: {  	[hbm4b:s5+s2] =	stream.linear.scatter [tilespmem:s8], [sflag:$0x1], $0x800, $0x38;
	[tilespmem:$0x1000] =	vst v63  }
0x1e2: {  	_ =	swait.ge [sflag:s7], $0x800  }
0x1e3: {  	[sflag:s7] =	ssyncset.done $0x0  }
0x1e4: {  	[sflag:s7] =	ssyncadd.s32 $0xFFFFF800  }
0x1e5: {  	_ =	sfence.sel $0x180000  }
0x1e6: {  	[bflag:$0x0] =	sbarrier.arrive $0xFFFF  }
0x1e7: {  	p0 =	sne.s32 s1, $0x0;
	_ =	strace $0x90000047  }
0x1e8: {  	s0 =	sadd.s32 @!p0 $0x100000, s0;
	[bflag:$0x2] =	sbarrier.arrive $0xFFFF  }
0x1e9: {  	[sflag:s0] =	ssyncadd.tile.s32 @!p0 $0x1;
	_ =	shalt  }
.Lfunc_end2:
_tile_overlayer_lowered:
.L_overlay_start_2:
0x1ea: {  	(tag) =	ssettag $0x2  }
0x1eb: {  	s0 =	rddreg [dreg:$0x0];
	s2 =	stileid.u32  }
0x1ec: {  	s1 =	rddreg [dreg:$0x1];
	p0 =	sne.s32 s2, $0x0  }
0x1ed: {  	s3 =	rddreg [dreg:$0x2];
	[bflag:$0x3] =	sbarrier.arrive $0xFFFF;
	s2 =	simm.s32 @!p0 $0x1C01  }
0x1ee: {  	[timem:s3], [sflag:s2] =	dma.local @!p0 [hbm:s0], s1  }
0x1ef: {  	s0 =	simm.s32 @!p0 $0x1  }
0x1f0: {  	_ =	swait.ge @!p0 [sflag:s0], s1  }
0x1f1: {  	s1 =	ssub.s32 @!p0 $0x0, s1;
	[sflag:s0] =	ssyncset.done @!p0 $0x0  }
0x1f2: {  	[sflag:s0] =	ssyncadd.s32 @!p0 s1  }
0x1f3: {  	[bflag:$0x3] =	sbarrier.arrive $0xFFFF  }
0x1f4: {  	_ =	shalt  }

</sc_bundles>
